<compile_context>
chip_gen: v7x
topology: tpu7x:2x2x1
jax: 0.10.2.dev20260603
libtpu: 0.0.44.dev20260713+nightly
codegen_flags: <defaults>
</compile_context>

<pallas_src>
import functools

import jax
import jax.numpy as jnp
from jax import lax
from jax.experimental import pallas as pl
from jax.experimental.pallas import tpu as pltpu
from jax.experimental.pallas import tpu_sc as plsc

_B = 4
_NB = 2048
_F = 128
_M = 512
_R2 = 0.2 * 0.2
_K = 64
_H1 = 128
_OUT = 128
_NEG = float("-inf")

_MB = 128
_MBD = 64
_RB = 512


def _fps_body(posT_ref, idx_ref, psx_ref, psy_ref, psz_ref):
    p = posT_ref[...]
    posx = p[:, 0, :]
    posy = p[:, 1, :]
    posz = p[:, 2, :]
    iota = lax.broadcasted_iota(jnp.int32, (_B, _NB), 1)

    def step(i, carry):
        dists, cur = carry
        oh = iota == cur[:, None]
        px = jnp.sum(jnp.where(oh, posx, 0.0), axis=1)
        py = jnp.sum(jnp.where(oh, posy, 0.0), axis=1)
        pz = jnp.sum(jnp.where(oh, posz, 0.0), axis=1)
        idx_ref[pl.ds(i, 1), :] = cur[None, :]
        psx_ref[pl.ds(i, 1), :] = px[None, :]
        psy_ref[pl.ds(i, 1), :] = py[None, :]
        psz_ref[pl.ds(i, 1), :] = pz[None, :]
        d = (posx - px[:, None]) ** 2 + (posy - py[:, None]) ** 2 \
            + (posz - pz[:, None]) ** 2
        dists = jnp.minimum(dists, d)
        nxt = jnp.argmax(dists, axis=1)
        return dists, nxt.astype(jnp.int32)

    lax.fori_loop(
        0, _M, step,
        (jnp.full((_B, _NB), jnp.inf, jnp.float32),
         jnp.zeros((_B,), jnp.int32)))


def _fps_call(posT):
    return pl.pallas_call(
        _fps_body,
        out_shape=[
            jax.ShapeDtypeStruct((_M, _B), jnp.int32),
            jax.ShapeDtypeStruct((_M, _B), jnp.float32),
            jax.ShapeDtypeStruct((_M, _B), jnp.float32),
            jax.ShapeDtypeStruct((_M, _B), jnp.float32),
        ],
    )(posT)


def _q_body(x_ref, pp_ref, w1x_ref, w1p_ref, b1_ref, q_ref):
    q_ref[...] = (
        jnp.dot(x_ref[...], w1x_ref[...], preferred_element_type=jnp.float32)
        + jnp.dot(pp_ref[...], w1p_ref[...], preferred_element_type=jnp.float32)
        + b1_ref[...])


def _q_call(x, pp, w1x, w1p, b1row):
    n = x.shape[0]
    return pl.pallas_call(
        _q_body,
        grid=(n // _RB,),
        in_specs=[
            pl.BlockSpec((_RB, _F), lambda i: (i, 0)),
            pl.BlockSpec((_RB, 8), lambda i: (i, 0)),
            pl.BlockSpec((_F, _H1), lambda i: (0, 0)),
            pl.BlockSpec((8, _H1), lambda i: (0, 0)),
            pl.BlockSpec((1, _H1), lambda i: (0, 0)),
        ],
        out_specs=pl.BlockSpec((_RB, _H1), lambda i: (i, 0)),
        out_shape=jax.ShapeDtypeStruct((n, _H1), jnp.float32),
    )(x, pp, w1x, w1p, b1row)


def _topk_body(posT_ref, psx_ref, psy_ref, psz_ref, nidx_ref, cnt_ref,
               sel_ref):
    p = posT_ref[...]
    posx = p[0, 0, :]
    posy = p[0, 1, :]
    posz = p[0, 2, :]
    px = psx_ref[...].reshape(_MB)
    py = psy_ref[...].reshape(_MB)
    pz = psz_ref[...].reshape(_MB)
    d2 = (px[:, None] - posx[None, :]) ** 2 \
        + (py[:, None] - posy[None, :]) ** 2 \
        + (pz[:, None] - posz[None, :]) ** 2
    inrad = d2 <= _R2
    sel_ref[...] = jnp.where(inrad, -d2, _NEG)
    cnt = jnp.sum(inrad.astype(jnp.int32), axis=1)
    cnt_ref[:, :, :, :] = cnt[None, None, None, :]
    iota = lax.broadcasted_iota(jnp.int32, (_MB, _NB), 1)

    def body(k, _):
        sel = sel_ref[...]
        idxk = jnp.argmax(sel, axis=1).astype(jnp.int32)
        nidx_ref[:, :, pl.ds(k, 1), :] = idxk[None, None, None, :]
        sel_ref[...] = jnp.where(iota == idxk[:, None], _NEG, sel)
        return 0

    lax.fori_loop(0, _K, body, 0)


def _topk_call(posT, psx4, psy4, psz4):
    nmb = _M // _MB
    return pl.pallas_call(
        _topk_body,
        grid=(_B, nmb),
        in_specs=[
            pl.BlockSpec((1, 3, _NB), lambda b, m: (b, 0, 0)),
            pl.BlockSpec((1, 1, 1, _MB), lambda b, m: (b, m, 0, 0)),
            pl.BlockSpec((1, 1, 1, _MB), lambda b, m: (b, m, 0, 0)),
            pl.BlockSpec((1, 1, 1, _MB), lambda b, m: (b, m, 0, 0)),
        ],
        out_specs=[
            pl.BlockSpec((1, 1, _K, _MB), lambda b, m: (b, m, 0, 0)),
            pl.BlockSpec((1, 1, 1, _MB), lambda b, m: (b, m, 0, 0)),
        ],
        out_shape=[
            jax.ShapeDtypeStruct((_B, nmb, _K, _MB), jnp.int32),
            jax.ShapeDtypeStruct((_B, nmb, 1, _MB), jnp.int32),
        ],
        scratch_shapes=[pltpu.VMEM((_MB, _NB), jnp.float32)],
    )(posT, psx4, psy4, psz4)


def _gather_call(q, idx3):
    num_cores, num_subcores = 2, 16
    nw = num_cores * num_subcores
    n = idx3.shape[0] * idx3.shape[1] * idx3.shape[2]
    per_w = n // nw
    ch = idx3.shape[2]
    nch = idx3.shape[1]
    mesh = plsc.VectorSubcoreMesh(core_axis_name="c", subcore_axis_name="s",
                                  num_cores=num_cores,
                                  num_subcores=num_subcores)

    nbuf = 4

    @functools.partial(
        pl.kernel,
        mesh=mesh,
        out_type=jax.ShapeDtypeStruct((n, _H1), jnp.float32),
        scratch_types=(
            [pltpu.VMEM((nch, ch), jnp.int32)]
            + [pltpu.VMEM((ch, _H1), jnp.float32) for _ in range(nbuf)]
            + [pltpu.SemaphoreType.DMA for _ in range(2 * nbuf)]
        ),
    )
    def gk(q_hbm, idx_hbm, out_hbm, idx_v, *bufs_and_sems):
        rows = bufs_and_sems[:nbuf]
        gsem = bufs_and_sems[nbuf:2 * nbuf]
        wsem = bufs_and_sems[2 * nbuf:]
        wid = lax.axis_index("s") * num_cores + lax.axis_index("c")
        base = wid * per_w
        pltpu.sync_copy(idx_hbm.at[wid], idx_v)

        def outer(t, _):
            for b in range(nbuf):
                j = nbuf * t + b

                @pl.when(t > 0)
                def _():
                    pltpu.make_async_copy(
                        rows[b], out_hbm.at[pl.ds(base, ch)], wsem[b]).wait()

                pltpu.async_copy(q_hbm.at[idx_v.at[j]], rows[b], gsem[b])
            for b in range(nbuf):
                j = nbuf * t + b
                pltpu.make_async_copy(
                    q_hbm.at[pl.ds(0, ch)], rows[b], gsem[b]).wait()
                pltpu.async_copy(
                    rows[b], out_hbm.at[pl.ds(base + j * ch, ch)], wsem[b])
            return 0

        lax.fori_loop(0, nch // nbuf, outer, 0)
        for b in range(nbuf):
            pltpu.make_async_copy(
                rows[b], out_hbm.at[pl.ds(base, ch)], wsem[b]).wait()

    return gk(q, idx3)


def _mlp_body(g_ref, cnt_ref, psx_ref, psy_ref, psz_ref, w1p_ref, w2_ref,
              b2_ref, out_ref):
    px = psx_ref[...].reshape(_MBD)
    py = psy_ref[...].reshape(_MBD)
    pz = psz_ref[...].reshape(_MBD)
    w1p = w1p_ref[...]
    c = (px[:, None] * w1p[0][None, :]
         + py[:, None] * w1p[1][None, :]
         + pz[:, None] * w1p[2][None, :])
    g = g_ref[...].reshape(_MBD, _K, _H1)
    c3 = lax.broadcast_in_dim(c, (_MBD, _K, _H1), (0, 2))
    h1 = jnp.maximum(g - c3, 0.0)
    h = jnp.dot(h1.reshape(_MBD * _K, _H1), w2_ref[...],
                preferred_element_type=jnp.float32)
    cnt = cnt_ref[...].reshape(_MBD)
    iota2 = lax.broadcasted_iota(jnp.int32, (_MBD, _K), 1)
    pen = jnp.where(iota2 < cnt[:, None], 0.0, _NEG)
    h = h.reshape(_MBD, _K, _OUT) \
        + lax.broadcast_in_dim(pen, (_MBD, _K, _OUT), (0, 1))
    out_ref[...] = (jnp.max(h, axis=1) + b2_ref[...])[None]


def _mlp_call(g4, cnt4, psxd, psyd, pszd, w1p, w2, b2row):
    nblk = (_B * _M) // _MBD
    return pl.pallas_call(
        _mlp_body,
        grid=(nblk,),
        in_specs=[
            pl.BlockSpec((1, _MBD * _K, _H1), lambda i: (i, 0, 0)),
            pl.BlockSpec((1, 1, _MBD), lambda i: (i, 0, 0)),
            pl.BlockSpec((1, 1, _MBD), lambda i: (i, 0, 0)),
            pl.BlockSpec((1, 1, _MBD), lambda i: (i, 0, 0)),
            pl.BlockSpec((1, 1, _MBD), lambda i: (i, 0, 0)),
            pl.BlockSpec((8, _H1), lambda i: (0, 0)),
            pl.BlockSpec((_H1, _OUT), lambda i: (0, 0)),
            pl.BlockSpec((1, _OUT), lambda i: (0, 0)),
        ],
        out_specs=pl.BlockSpec((1, _MBD, _OUT), lambda i: (i, 0, 0)),
        out_shape=jax.ShapeDtypeStruct((nblk, _MBD, _OUT), jnp.float32),
    )(g4, cnt4, psxd, psyd, pszd, w1p, w2, b2row)


def kernel(x, pos, batch, W1, b1, W2, b2):
    posT = pos.reshape(_B, _NB, 3).transpose(0, 2, 1)
    idx_sb, psx, psy, psz = _fps_call(posT)

    pp = jnp.pad(pos, ((0, 0), (0, 5)))
    w1x = W1[:_F]
    w1p = jnp.pad(W1[_F:], ((0, 5), (0, 0)))
    q = _q_call(x, pp, w1x, w1p, b1.reshape(1, _H1))

    nmb = _M // _MB
    psx4 = psx.T.reshape(_B, nmb, 1, _MB)
    psy4 = psy.T.reshape(_B, nmb, 1, _MB)
    psz4 = psz.T.reshape(_B, nmb, 1, _MB)
    nidx, cnt = _topk_call(posT, psx4, psy4, psz4)

    nbr = nidx.transpose(0, 1, 3, 2).reshape(_B, _M, _K)
    gidx = nbr + (jnp.arange(_B, dtype=jnp.int32) * _NB)[:, None, None]
    idx3 = gidx.reshape(32, (_B * _M * _K) // (32 * 128), 128)
    g = _gather_call(q, idx3)

    nblk = (_B * _M) // _MBD
    g4 = g.reshape(nblk, _MBD * _K, _H1)
    cnt4 = cnt.reshape(_B * _M).reshape(nblk, 1, _MBD)
    psxd = psx.T.reshape(nblk, 1, _MBD)
    psyd = psy.T.reshape(nblk, 1, _MBD)
    pszd = psz.T.reshape(nblk, 1, _MBD)
    x_out = _mlp_call(g4, cnt4, psxd, psyd, pszd, w1p, W2,
                      b2.reshape(1, _OUT)).reshape(_B * _M, _OUT)

    pos_out = jnp.stack([psx, psy, psz], axis=-1)
    pos_out = pos_out.transpose(1, 0, 2).reshape(_B * _M, 3)
    batch_out = jnp.repeat(jnp.arange(_B, dtype=batch.dtype), _M)
    return x_out, pos_out, batch_out

# --- scband reference (transcript-rebuilt; emitter-appended) ---
"""Pipeline reference for scband-samodule-62105227100294 (READ-ONLY COPY).

The authoritative reference and input builder live on the scoring server;
editing this copy changes nothing except your own understanding.
"""

import jax, jax.numpy as jnp
import numpy as np

B = 4
NB = 2048
F = 128
RATIO = 0.25
M = int(RATIO * NB)
R = 0.2
K = 64
H1 = 128
OUT = 128


def setup_inputs(seed: int = 0):
    key = jax.random.key(seed)
    k1, k2, k3, k4 = jax.random.split(key, 4)
    x = jax.random.normal(k1, (B * NB, F), dtype=jnp.float32)
    pos = jax.random.uniform(k2, (B * NB, 3), dtype=jnp.float32)
    batch = jnp.repeat(jnp.arange(B, dtype=jnp.int32), NB)
    W1 = jax.random.normal(k3, (F + 3, H1), dtype=jnp.float32) * 0.05
    b1 = jnp.zeros((H1,), dtype=jnp.float32)
    W2 = jax.random.normal(k4, (H1, OUT), dtype=jnp.float32) * 0.05
    b2 = jnp.zeros((OUT,), dtype=jnp.float32)
    return {"x": x, "pos": pos, "batch": batch, "W1": W1, "b1": b1, "W2": W2, "b2": b2}


def _fps(pos_c):
    # deterministic farthest point sampling, start at index 0
    def step(carry, _):
        dists, last = carry
        d = jnp.sum((pos_c - pos_c[last]) ** 2, axis=-1)
        dists = jnp.minimum(dists, d)
        nxt = jnp.argmax(dists).astype(jnp.int32)
        return (dists, nxt), nxt

    init = (jnp.full((pos_c.shape[0],), jnp.inf, dtype=jnp.float32), jnp.array(0, dtype=jnp.int32))
    _, rest = jax.lax.scan(step, init, None, length=M - 1)
    return jnp.concatenate([jnp.zeros((1,), dtype=rest.dtype), rest])


def reference(x, pos, batch, W1, b1, W2, b2):
    pos_r = pos.reshape(B, NB, 3)
    x_r = x.reshape(B, NB, F)
    # fps per cloud (indices are non-differentiable)
    idx_local = jax.vmap(_fps)(jax.lax.stop_gradient(pos_r))  # [B, M]
    pos_s = jnp.take_along_axis(pos_r, idx_local[:, :, None], axis=1)  # [B, M, 3]
    # radius neighborhood: up to K nearest points within R of each centroid
    d2 = jnp.sum((jax.lax.stop_gradient(pos_s)[:, :, None, :] - jax.lax.stop_gradient(pos_r)[:, None, :, :]) ** 2, axis=-1)  # [B, M, NB]
    sel = jnp.where(d2 <= R * R, -d2, -jnp.inf)
    neg_d, nbr = jax.lax.top_k(sel, K)  # [B, M, K]
    valid = neg_d > -jnp.inf
    gather = jax.vmap(lambda a, i: a[i])
    x_j = gather(x_r, nbr)  # [B, M, K, F]
    pos_j = gather(pos_r, nbr)  # [B, M, K, 3]
    rel = pos_j - pos_s[:, :, None, :]
    feat = jnp.concatenate([x_j, rel], axis=-1)  # [B, M, K, F+3]
    h = jnp.maximum(feat @ W1 + b1, 0.0) @ W2 + b2  # [B, M, K, OUT]
    h = jnp.where(valid[..., None], h, -jnp.inf)
    x_out = jnp.max(h, axis=2).reshape(B * M, OUT)  # max aggregation (self always valid)
    gidx = (idx_local + (jnp.arange(B, dtype=idx_local.dtype) * NB)[:, None]).reshape(-1)
    return x_out, pos[gidx], batch[gidx]

if __name__ == "__main__":
    import jax
    _d = setup_inputs()
    print(jax.jit(kernel)(*tuple(_d.values())))

</pallas_src>

<mosaic_0001>
#map = affine_map<(d0, d1) -> (0, 0)>
#map1 = affine_map<(d0, d1) -> (0, 0, 0)>
module attributes {stable_mosaic.version = 14 : i64} {
  func.func @gk(%arg0: i32, %arg1: i32, %arg2: memref<8192x128xf32, #tpu.memory_space<hbm>>, %arg3: memref<32x32x128xi32, #tpu.memory_space<hbm>>, %arg4: memref<131072x128xf32, #tpu.memory_space<hbm>>, %arg5: memref<32x128xi32, #tpu.memory_space<vmem>>, %arg6: memref<128x128xf32, #tpu.memory_space<vmem>>, %arg7: memref<128x128xf32, #tpu.memory_space<vmem>>, %arg8: memref<128x128xf32, #tpu.memory_space<vmem>>, %arg9: memref<128x128xf32, #tpu.memory_space<vmem>>, %arg10: memref<!tpu.dma_semaphore, #tpu.memory_space<semaphore_mem>>, %arg11: memref<!tpu.dma_semaphore, #tpu.memory_space<semaphore_mem>>, %arg12: memref<!tpu.dma_semaphore, #tpu.memory_space<semaphore_mem>>, %arg13: memref<!tpu.dma_semaphore, #tpu.memory_space<semaphore_mem>>, %arg14: memref<!tpu.dma_semaphore, #tpu.memory_space<semaphore_mem>>, %arg15: memref<!tpu.dma_semaphore, #tpu.memory_space<semaphore_mem>>, %arg16: memref<!tpu.dma_semaphore, #tpu.memory_space<semaphore_mem>>, %arg17: memref<!tpu.dma_semaphore, #tpu.memory_space<semaphore_mem>>) attributes {dimension_semantics = [#tpu.dimension_semantics<core_parallel>, #tpu.dimension_semantics<subcore_parallel>], iteration_bounds = array<i64: 2, 16>, scalar_prefetch = 0 : i64, scratch_operands = 13 : i64, tpu.core_type = #tpu.core_type<sc_vector_subcore>, window_params = [{transform_indices = #map}, {transform_indices = #map1}, {transform_indices = #map}]} {
    %mul3A = arith.constant 2 : i32
    %mul3A_0 = arith.muli %arg1, %mul3A : i32
    %add3A = arith.addi %mul3A_0, %arg0 : i32
    %mul3A_1 = arith.constant 4096 : i32
    %mul3A_2 = arith.muli %add3A, %mul3A_1 : i32
    "tpu.region"() ({
      %run_scoped3A = tpu.sem_alloc : memref<!tpu.dma_semaphore, #tpu.memory_space<semaphore_mem>>
      %dma_start3A = arith.constant 0 : i32
      %dma_start3A_24 = arith.constant 0 : i32
      %dma_start3A_25 = tpu.memref_slice %arg3[%add3A, %dma_start3A, %dma_start3A_24] : memref<32x32x128xi32, #tpu.memory_space<hbm>> -> memref<1x32x128xi32, #tpu.memory_space<hbm>>
      %dma_start3A_26 = tpu.memref_squeeze %dma_start3A_25 : memref<1x32x128xi32, #tpu.memory_space<hbm>> -> memref<32x128xi32, #tpu.memory_space<hbm>>
      %dma_start3A_27 = arith.constant 0 : i32
      %dma_start3A_28 = arith.constant 0 : i32
      %dma_start3A_29 = tpu.memref_slice %arg3[%add3A, %dma_start3A_27, %dma_start3A_28] : memref<32x32x128xi32, #tpu.memory_space<hbm>> -> memref<1x32x128xi32, #tpu.memory_space<hbm>>
      %dma_start3A_30 = tpu.memref_squeeze %dma_start3A_29 : memref<1x32x128xi32, #tpu.memory_space<hbm>> -> memref<32x128xi32, #tpu.memory_space<hbm>>
      tpu.enqueue_dma source(%dma_start3A_30 : memref<32x128xi32, #tpu.memory_space<hbm>>) target(%arg5 : memref<32x128xi32, #tpu.memory_space<vmem>>) target_semaphore(%run_scoped3A : memref<!tpu.dma_semaphore, #tpu.memory_space<semaphore_mem>>)
      %dma_wait3A_31 = arith.constant 0 : i32
      %dma_wait3A_32 = arith.constant 0 : i32
      %dma_wait3A_33 = tpu.memref_slice %arg3[%add3A, %dma_wait3A_31, %dma_wait3A_32] : memref<32x32x128xi32, #tpu.memory_space<hbm>> -> memref<1x32x128xi32, #tpu.memory_space<hbm>>
      %dma_wait3A_34 = tpu.memref_squeeze %dma_wait3A_33 : memref<1x32x128xi32, #tpu.memory_space<hbm>> -> memref<32x128xi32, #tpu.memory_space<hbm>>
      %dma_wait3A_35 = arith.constant 0 : i32
      %dma_wait3A_36 = arith.constant 0 : i32
      %dma_wait3A_37 = tpu.memref_slice %arg3[%add3A, %dma_wait3A_35, %dma_wait3A_36] : memref<32x32x128xi32, #tpu.memory_space<hbm>> -> memref<1x32x128xi32, #tpu.memory_space<hbm>>
      %dma_wait3A_38 = tpu.memref_squeeze %dma_wait3A_37 : memref<1x32x128xi32, #tpu.memory_space<hbm>> -> memref<32x128xi32, #tpu.memory_space<hbm>>
      tpu.wait_dma2 semaphore(%run_scoped3A : memref<!tpu.dma_semaphore, #tpu.memory_space<semaphore_mem>>) src(%dma_wait3A_38 : memref<32x128xi32, #tpu.memory_space<hbm>>) dst(%arg5 : memref<32x128xi32, #tpu.memory_space<vmem>>)
      tpu.yield
    }) : () -> ()
    %scan3A = arith.constant 0 : i32
    %scan3A_3 = arith.constant 0 : i32
    %scan3A_4 = arith.constant 8 : i32
    %scan3A_5 = arith.addi %scan3A_3, %scan3A_4 : i32
    %scan3A_6 = arith.constant 1 : i32
    %scan3A_7 = scf.for %scan3A_24 = %scan3A_3 to %scan3A_5 step %scan3A_6 iter_args(%scan3A_25 = %scan3A) -> (i32)  : i32 {
      %mul3A_26 = arith.constant 4 : i32
      %mul3A_27 = arith.muli %mul3A_26, %scan3A_24 : i32
      %add3A_28 = arith.constant 0 : i32
      %add3A_29 = arith.addi %mul3A_27, %add3A_28 : i32
      %gt3A = arith.constant 0 : i32
      %gt3A_30 = arith.cmpi sgt, %scan3A_24, %gt3A : i32
      %convert_element_type3A = arith.extui %gt3A_30 : i1 to i32
      %cond3A = arith.constant 0 : i32
      %cond3A_31 = arith.cmpi ne, %convert_element_type3A, %cond3A : i32
      scf.if %cond3A_31 {
        %dma_wait3A_151 = arith.constant 0 : i32
        %dma_wait3A_152 = tpu.memref_slice %arg4[%mul3A_2, %dma_wait3A_151] : memref<131072x128xf32, #tpu.memory_space<hbm>> -> memref<128x128xf32, #tpu.memory_space<hbm>>
        %dma_wait3A_153 = arith.constant 0 : i32
        %dma_wait3A_154 = tpu.memref_slice %arg4[%mul3A_2, %dma_wait3A_153] : memref<131072x128xf32, #tpu.memory_space<hbm>> -> memref<128x128xf32, #tpu.memory_space<hbm>>
        tpu.wait_dma2 semaphore(%arg14 : memref<!tpu.dma_semaphore, #tpu.memory_space<semaphore_mem>>) src(%arg6 : memref<128x128xf32, #tpu.memory_space<vmem>>) dst(%dma_wait3A_154 : memref<128x128xf32, #tpu.memory_space<hbm>>)
      } else {
      }
      %dma_start3A = arith.constant 0 : i32
      %dma_start3A_32 = tpu.memref_slice %arg5[%add3A_29, %dma_start3A] : memref<32x128xi32, #tpu.memory_space<vmem>> -> memref<1x128xi32, #tpu.memory_space<vmem>>
      %dma_start3A_33 = tpu.memref_squeeze %dma_start3A_32 : memref<1x128xi32, #tpu.memory_space<vmem>> -> memref<128xi32, #tpu.memory_space<vmem>>
      %dma_start3A_34 = arith.constant 0 : i32
      %dma_start3A_35 = arith.constant 0 : i32
      %dma_start3A_36 = tpu.memref_slice %arg2[%dma_start3A_34, %dma_start3A_35] : memref<8192x128xf32, #tpu.memory_space<hbm>> -> memref<8192x128xf32, #tpu.memory_space<hbm>>
      tpu.enqueue_indirect_dma source(%dma_start3A_36 : memref<8192x128xf32, #tpu.memory_space<hbm>>) target(%arg6 : memref<128x128xf32, #tpu.memory_space<vmem>>) offsets(%dma_start3A_33 : memref<128xi32, #tpu.memory_space<vmem>>) semaphore(%arg10 : memref<!tpu.dma_semaphore, #tpu.memory_space<semaphore_mem>>)
      %mul3A_37 = arith.constant 4 : i32
      %mul3A_38 = arith.muli %mul3A_37, %scan3A_24 : i32
      %add3A_39 = arith.constant 1 : i32
      %add3A_40 = arith.addi %mul3A_38, %add3A_39 : i32
      %gt3A_41 = arith.constant 0 : i32
      %gt3A_42 = arith.cmpi sgt, %scan3A_24, %gt3A_41 : i32
      %convert_element_type3A_43 = arith.extui %gt3A_42 : i1 to i32
      %cond3A_44 = arith.constant 0 : i32
      %cond3A_45 = arith.cmpi ne, %convert_element_type3A_43, %cond3A_44 : i32
      scf.if %cond3A_45 {
        %dma_wait3A_151 = arith.constant 0 : i32
        %dma_wait3A_152 = tpu.memref_slice %arg4[%mul3A_2, %dma_wait3A_151] : memref<131072x128xf32, #tpu.memory_space<hbm>> -> memref<128x128xf32, #tpu.memory_space<hbm>>
        %dma_wait3A_153 = arith.constant 0 : i32
        %dma_wait3A_154 = tpu.memref_slice %arg4[%mul3A_2, %dma_wait3A_153] : memref<131072x128xf32, #tpu.memory_space<hbm>> -> memref<128x128xf32, #tpu.memory_space<hbm>>
        tpu.wait_dma2 semaphore(%arg15 : memref<!tpu.dma_semaphore, #tpu.memory_space<semaphore_mem>>) src(%arg7 : memref<128x128xf32, #tpu.memory_space<vmem>>) dst(%dma_wait3A_154 : memref<128x128xf32, #tpu.memory_space<hbm>>)
      } else {
      }
      %dma_start3A_46 = arith.constant 0 : i32
      %dma_start3A_47 = tpu.memref_slice %arg5[%add3A_40, %dma_start3A_46] : memref<32x128xi32, #tpu.memory_space<vmem>> -> memref<1x128xi32, #tpu.memory_space<vmem>>
      %dma_start3A_48 = tpu.memref_squeeze %dma_start3A_47 : memref<1x128xi32, #tpu.memory_space<vmem>> -> memref<128xi32, #tpu.memory_space<vmem>>
      %dma_start3A_49 = arith.constant 0 : i32
      %dma_start3A_50 = arith.constant 0 : i32
      %dma_start3A_51 = tpu.memref_slice %arg2[%dma_start3A_49, %dma_start3A_50] : memref<8192x128xf32, #tpu.memory_space<hbm>> -> memref<8192x128xf32, #tpu.memory_space<hbm>>
      tpu.enqueue_indirect_dma source(%dma_start3A_51 : memref<8192x128xf32, #tpu.memory_space<hbm>>) target(%arg7 : memref<128x128xf32, #tpu.memory_space<vmem>>) offsets(%dma_start3A_48 : memref<128xi32, #tpu.memory_space<vmem>>) semaphore(%arg11 : memref<!tpu.dma_semaphore, #tpu.memory_space<semaphore_mem>>)
      %mul3A_52 = arith.constant 4 : i32
      %mul3A_53 = arith.muli %mul3A_52, %scan3A_24 : i32
      %add3A_54 = arith.constant 2 : i32
      %add3A_55 = arith.addi %mul3A_53, %add3A_54 : i32
      %gt3A_56 = arith.constant 0 : i32
      %gt3A_57 = arith.cmpi sgt, %scan3A_24, %gt3A_56 : i32
      %convert_element_type3A_58 = arith.extui %gt3A_57 : i1 to i32
      %cond3A_59 = arith.constant 0 : i32
      %cond3A_60 = arith.cmpi ne, %convert_element_type3A_58, %cond3A_59 : i32
      scf.if %cond3A_60 {
        %dma_wait3A_151 = arith.constant 0 : i32
        %dma_wait3A_152 = tpu.memref_slice %arg4[%mul3A_2, %dma_wait3A_151] : memref<131072x128xf32, #tpu.memory_space<hbm>> -> memref<128x128xf32, #tpu.memory_space<hbm>>
        %dma_wait3A_153 = arith.constant 0 : i32
        %dma_wait3A_154 = tpu.memref_slice %arg4[%mul3A_2, %dma_wait3A_153] : memref<131072x128xf32, #tpu.memory_space<hbm>> -> memref<128x128xf32, #tpu.memory_space<hbm>>
        tpu.wait_dma2 semaphore(%arg16 : memref<!tpu.dma_semaphore, #tpu.memory_space<semaphore_mem>>) src(%arg8 : memref<128x128xf32, #tpu.memory_space<vmem>>) dst(%dma_wait3A_154 : memref<128x128xf32, #tpu.memory_space<hbm>>)
      } else {
      }
      %dma_start3A_61 = arith.constant 0 : i32
      %dma_start3A_62 = tpu.memref_slice %arg5[%add3A_55, %dma_start3A_61] : memref<32x128xi32, #tpu.memory_space<vmem>> -> memref<1x128xi32, #tpu.memory_space<vmem>>
      %dma_start3A_63 = tpu.memref_squeeze %dma_start3A_62 : memref<1x128xi32, #tpu.memory_space<vmem>> -> memref<128xi32, #tpu.memory_space<vmem>>
      %dma_start3A_64 = arith.constant 0 : i32
      %dma_start3A_65 = arith.constant 0 : i32
      %dma_start3A_66 = tpu.memref_slice %arg2[%dma_start3A_64, %dma_start3A_65] : memref<8192x128xf32, #tpu.memory_space<hbm>> -> memref<8192x128xf32, #tpu.memory_space<hbm>>
      tpu.enqueue_indirect_dma source(%dma_start3A_66 : memref<8192x128xf32, #tpu.memory_space<hbm>>) target(%arg8 : memref<128x128xf32, #tpu.memory_space<vmem>>) offsets(%dma_start3A_63 : memref<128xi32, #tpu.memory_space<vmem>>) semaphore(%arg12 : memref<!tpu.dma_semaphore, #tpu.memory_space<semaphore_mem>>)
      %mul3A_67 = arith.constant 4 : i32
      %mul3A_68 = arith.muli %mul3A_67, %scan3A_24 : i32
      %add3A_69 = arith.constant 3 : i32
      %add3A_70 = arith.addi %mul3A_68, %add3A_69 : i32
      %gt3A_71 = arith.constant 0 : i32
      %gt3A_72 = arith.cmpi sgt, %scan3A_24, %gt3A_71 : i32
      %convert_element_type3A_73 = arith.extui %gt3A_72 : i1 to i32
      %cond3A_74 = arith.constant 0 : i32
      %cond3A_75 = arith.cmpi ne, %convert_element_type3A_73, %cond3A_74 : i32
      scf.if %cond3A_75 {
        %dma_wait3A_151 = arith.constant 0 : i32
        %dma_wait3A_152 = tpu.memref_slice %arg4[%mul3A_2, %dma_wait3A_151] : memref<131072x128xf32, #tpu.memory_space<hbm>> -> memref<128x128xf32, #tpu.memory_space<hbm>>
        %dma_wait3A_153 = arith.constant 0 : i32
        %dma_wait3A_154 = tpu.memref_slice %arg4[%mul3A_2, %dma_wait3A_153] : memref<131072x128xf32, #tpu.memory_space<hbm>> -> memref<128x128xf32, #tpu.memory_space<hbm>>
        tpu.wait_dma2 semaphore(%arg17 : memref<!tpu.dma_semaphore, #tpu.memory_space<semaphore_mem>>) src(%arg9 : memref<128x128xf32, #tpu.memory_space<vmem>>) dst(%dma_wait3A_154 : memref<128x128xf32, #tpu.memory_space<hbm>>)
      } else {
      }
      %dma_start3A_76 = arith.constant 0 : i32
      %dma_start3A_77 = tpu.memref_slice %arg5[%add3A_70, %dma_start3A_76] : memref<32x128xi32, #tpu.memory_space<vmem>> -> memref<1x128xi32, #tpu.memory_space<vmem>>
      %dma_start3A_78 = tpu.memref_squeeze %dma_start3A_77 : memref<1x128xi32, #tpu.memory_space<vmem>> -> memref<128xi32, #tpu.memory_space<vmem>>
      %dma_start3A_79 = arith.constant 0 : i32
      %dma_start3A_80 = arith.constant 0 : i32
      %dma_start3A_81 = tpu.memref_slice %arg2[%dma_start3A_79, %dma_start3A_80] : memref<8192x128xf32, #tpu.memory_space<hbm>> -> memref<8192x128xf32, #tpu.memory_space<hbm>>
      tpu.enqueue_indirect_dma source(%dma_start3A_81 : memref<8192x128xf32, #tpu.memory_space<hbm>>) target(%arg9 : memref<128x128xf32, #tpu.memory_space<vmem>>) offsets(%dma_start3A_78 : memref<128xi32, #tpu.memory_space<vmem>>) semaphore(%arg13 : memref<!tpu.dma_semaphore, #tpu.memory_space<semaphore_mem>>)
      %mul3A_82 = arith.constant 4 : i32
      %mul3A_83 = arith.muli %mul3A_82, %scan3A_24 : i32
      %add3A_84 = arith.constant 0 : i32
      %add3A_85 = arith.addi %mul3A_83, %add3A_84 : i32
      %dma_wait3A_86 = arith.constant 0 : i32
      %dma_wait3A_87 = arith.constant 0 : i32
      %dma_wait3A_88 = tpu.memref_slice %arg2[%dma_wait3A_86, %dma_wait3A_87] : memref<8192x128xf32, #tpu.memory_space<hbm>> -> memref<128x128xf32, #tpu.memory_space<hbm>>
      %dma_wait3A_89 = arith.constant 0 : i32
      %dma_wait3A_90 = arith.constant 0 : i32
      %dma_wait3A_91 = tpu.memref_slice %arg2[%dma_wait3A_89, %dma_wait3A_90] : memref<8192x128xf32, #tpu.memory_space<hbm>> -> memref<128x128xf32, #tpu.memory_space<hbm>>
      tpu.wait_dma2 semaphore(%arg10 : memref<!tpu.dma_semaphore, #tpu.memory_space<semaphore_mem>>) src(%dma_wait3A_91 : memref<128x128xf32, #tpu.memory_space<hbm>>) dst(%arg6 : memref<128x128xf32, #tpu.memory_space<vmem>>)
      %mul3A_92 = arith.constant 128 : i32
      %mul3A_93 = arith.muli %add3A_85, %mul3A_92 : i32
      %add3A_94 = arith.addi %mul3A_2, %mul3A_93 : i32
      %dma_start3A_95 = arith.constant 0 : i32
      %dma_start3A_96 = tpu.memref_slice %arg4[%add3A_94, %dma_start3A_95] : memref<131072x128xf32, #tpu.memory_space<hbm>> -> memref<128x128xf32, #tpu.memory_space<hbm>>
      %dma_start3A_97 = arith.constant 0 : i32
      %dma_start3A_98 = tpu.memref_slice %arg4[%add3A_94, %dma_start3A_97] : memref<131072x128xf32, #tpu.memory_space<hbm>> -> memref<128x128xf32, #tpu.memory_space<hbm>>
      tpu.enqueue_dma source(%arg6 : memref<128x128xf32, #tpu.memory_space<vmem>>) target(%dma_start3A_98 : memref<128x128xf32, #tpu.memory_space<hbm>>) target_semaphore(%arg14 : memref<!tpu.dma_semaphore, #tpu.memory_space<semaphore_mem>>)
      %mul3A_99 = arith.constant 4 : i32
      %mul3A_100 = arith.muli %mul3A_99, %scan3A_24 : i32
      %add3A_101 = arith.constant 1 : i32
      %add3A_102 = arith.addi %mul3A_100, %add3A_101 : i32
      %dma_wait3A_103 = arith.constant 0 : i32
      %dma_wait3A_104 = arith.constant 0 : i32
      %dma_wait3A_105 = tpu.memref_slice %arg2[%dma_wait3A_103, %dma_wait3A_104] : memref<8192x128xf32, #tpu.memory_space<hbm>> -> memref<128x128xf32, #tpu.memory_space<hbm>>
      %dma_wait3A_106 = arith.constant 0 : i32
      %dma_wait3A_107 = arith.constant 0 : i32
      %dma_wait3A_108 = tpu.memref_slice %arg2[%dma_wait3A_106, %dma_wait3A_107] : memref<8192x128xf32, #tpu.memory_space<hbm>> -> memref<128x128xf32, #tpu.memory_space<hbm>>
      tpu.wait_dma2 semaphore(%arg11 : memref<!tpu.dma_semaphore, #tpu.memory_space<semaphore_mem>>) src(%dma_wait3A_108 : memref<128x128xf32, #tpu.memory_space<hbm>>) dst(%arg7 : memref<128x128xf32, #tpu.memory_space<vmem>>)
      %mul3A_109 = arith.constant 128 : i32
      %mul3A_110 = arith.muli %add3A_102, %mul3A_109 : i32
      %add3A_111 = arith.addi %mul3A_2, %mul3A_110 : i32
      %dma_start3A_112 = arith.constant 0 : i32
      %dma_start3A_113 = tpu.memref_slice %arg4[%add3A_111, %dma_start3A_112] : memref<131072x128xf32, #tpu.memory_space<hbm>> -> memref<128x128xf32, #tpu.memory_space<hbm>>
      %dma_start3A_114 = arith.constant 0 : i32
      %dma_start3A_115 = tpu.memref_slice %arg4[%add3A_111, %dma_start3A_114] : memref<131072x128xf32, #tpu.memory_space<hbm>> -> memref<128x128xf32, #tpu.memory_space<hbm>>
      tpu.enqueue_dma source(%arg7 : memref<128x128xf32, #tpu.memory_space<vmem>>) target(%dma_start3A_115 : memref<128x128xf32, #tpu.memory_space<hbm>>) target_semaphore(%arg15 : memref<!tpu.dma_semaphore, #tpu.memory_space<semaphore_mem>>)
      %mul3A_116 = arith.constant 4 : i32
      %mul3A_117 = arith.muli %mul3A_116, %scan3A_24 : i32
      %add3A_118 = arith.constant 2 : i32
      %add3A_119 = arith.addi %mul3A_117, %add3A_118 : i32
      %dma_wait3A_120 = arith.constant 0 : i32
      %dma_wait3A_121 = arith.constant 0 : i32
      %dma_wait3A_122 = tpu.memref_slice %arg2[%dma_wait3A_120, %dma_wait3A_121] : memref<8192x128xf32, #tpu.memory_space<hbm>> -> memref<128x128xf32, #tpu.memory_space<hbm>>
      %dma_wait3A_123 = arith.constant 0 : i32
      %dma_wait3A_124 = arith.constant 0 : i32
      %dma_wait3A_125 = tpu.memref_slice %arg2[%dma_wait3A_123, %dma_wait3A_124] : memref<8192x128xf32, #tpu.memory_space<hbm>> -> memref<128x128xf32, #tpu.memory_space<hbm>>
      tpu.wait_dma2 semaphore(%arg12 : memref<!tpu.dma_semaphore, #tpu.memory_space<semaphore_mem>>) src(%dma_wait3A_125 : memref<128x128xf32, #tpu.memory_space<hbm>>) dst(%arg8 : memref<128x128xf32, #tpu.memory_space<vmem>>)
      %mul3A_126 = arith.constant 128 : i32
      %mul3A_127 = arith.muli %add3A_119, %mul3A_126 : i32
      %add3A_128 = arith.addi %mul3A_2, %mul3A_127 : i32
      %dma_start3A_129 = arith.constant 0 : i32
      %dma_start3A_130 = tpu.memref_slice %arg4[%add3A_128, %dma_start3A_129] : memref<131072x128xf32, #tpu.memory_space<hbm>> -> memref<128x128xf32, #tpu.memory_space<hbm>>
      %dma_start3A_131 = arith.constant 0 : i32
      %dma_start3A_132 = tpu.memref_slice %arg4[%add3A_128, %dma_start3A_131] : memref<131072x128xf32, #tpu.memory_space<hbm>> -> memref<128x128xf32, #tpu.memory_space<hbm>>
      tpu.enqueue_dma source(%arg8 : memref<128x128xf32, #tpu.memory_space<vmem>>) target(%dma_start3A_132 : memref<128x128xf32, #tpu.memory_space<hbm>>) target_semaphore(%arg16 : memref<!tpu.dma_semaphore, #tpu.memory_space<semaphore_mem>>)
      %mul3A_133 = arith.constant 4 : i32
      %mul3A_134 = arith.muli %mul3A_133, %scan3A_24 : i32
      %add3A_135 = arith.constant 3 : i32
      %add3A_136 = arith.addi %mul3A_134, %add3A_135 : i32
      %dma_wait3A_137 = arith.constant 0 : i32
      %dma_wait3A_138 = arith.constant 0 : i32
      %dma_wait3A_139 = tpu.memref_slice %arg2[%dma_wait3A_137, %dma_wait3A_138] : memref<8192x128xf32, #tpu.memory_space<hbm>> -> memref<128x128xf32, #tpu.memory_space<hbm>>
      %dma_wait3A_140 = arith.constant 0 : i32
      %dma_wait3A_141 = arith.constant 0 : i32
      %dma_wait3A_142 = tpu.memref_slice %arg2[%dma_wait3A_140, %dma_wait3A_141] : memref<8192x128xf32, #tpu.memory_space<hbm>> -> memref<128x128xf32, #tpu.memory_space<hbm>>
      tpu.wait_dma2 semaphore(%arg13 : memref<!tpu.dma_semaphore, #tpu.memory_space<semaphore_mem>>) src(%dma_wait3A_142 : memref<128x128xf32, #tpu.memory_space<hbm>>) dst(%arg9 : memref<128x128xf32, #tpu.memory_space<vmem>>)
      %mul3A_143 = arith.constant 128 : i32
      %mul3A_144 = arith.muli %add3A_136, %mul3A_143 : i32
      %add3A_145 = arith.addi %mul3A_2, %mul3A_144 : i32
      %dma_start3A_146 = arith.constant 0 : i32
      %dma_start3A_147 = tpu.memref_slice %arg4[%add3A_145, %dma_start3A_146] : memref<131072x128xf32, #tpu.memory_space<hbm>> -> memref<128x128xf32, #tpu.memory_space<hbm>>
      %dma_start3A_148 = arith.constant 0 : i32
      %dma_start3A_149 = tpu.memref_slice %arg4[%add3A_145, %dma_start3A_148] : memref<131072x128xf32, #tpu.memory_space<hbm>> -> memref<128x128xf32, #tpu.memory_space<hbm>>
      tpu.enqueue_dma source(%arg9 : memref<128x128xf32, #tpu.memory_space<vmem>>) target(%dma_start3A_149 : memref<128x128xf32, #tpu.memory_space<hbm>>) target_semaphore(%arg17 : memref<!tpu.dma_semaphore, #tpu.memory_space<semaphore_mem>>)
      %scan3A_150 = arith.constant 0 : i32
      scf.yield %scan3A_150 : i32
    }
    %scan3A_8 = arith.constant 8 : i32
    %dma_wait3A = arith.constant 0 : i32
    %dma_wait3A_9 = tpu.memref_slice %arg4[%mul3A_2, %dma_wait3A] : memref<131072x128xf32, #tpu.memory_space<hbm>> -> memref<128x128xf32, #tpu.memory_space<hbm>>
    %dma_wait3A_10 = arith.constant 0 : i32
    %dma_wait3A_11 = tpu.memref_slice %arg4[%mul3A_2, %dma_wait3A_10] : memref<131072x128xf32, #tpu.memory_space<hbm>> -> memref<128x128xf32, #tpu.memory_space<hbm>>
    tpu.wait_dma2 semaphore(%arg14 : memref<!tpu.dma_semaphore, #tpu.memory_space<semaphore_mem>>) src(%arg6 : memref<128x128xf32, #tpu.memory_space<vmem>>) dst(%dma_wait3A_11 : memref<128x128xf32, #tpu.memory_space<hbm>>)
    %dma_wait3A_12 = arith.constant 0 : i32
    %dma_wait3A_13 = tpu.memref_slice %arg4[%mul3A_2, %dma_wait3A_12] : memref<131072x128xf32, #tpu.memory_space<hbm>> -> memref<128x128xf32, #tpu.memory_space<hbm>>
    %dma_wait3A_14 = arith.constant 0 : i32
    %dma_wait3A_15 = tpu.memref_slice %arg4[%mul3A_2, %dma_wait3A_14] : memref<131072x128xf32, #tpu.memory_space<hbm>> -> memref<128x128xf32, #tpu.memory_space<hbm>>
    tpu.wait_dma2 semaphore(%arg15 : memref<!tpu.dma_semaphore, #tpu.memory_space<semaphore_mem>>) src(%arg7 : memref<128x128xf32, #tpu.memory_space<vmem>>) dst(%dma_wait3A_15 : memref<128x128xf32, #tpu.memory_space<hbm>>)
    %dma_wait3A_16 = arith.constant 0 : i32
    %dma_wait3A_17 = tpu.memref_slice %arg4[%mul3A_2, %dma_wait3A_16] : memref<131072x128xf32, #tpu.memory_space<hbm>> -> memref<128x128xf32, #tpu.memory_space<hbm>>
    %dma_wait3A_18 = arith.constant 0 : i32
    %dma_wait3A_19 = tpu.memref_slice %arg4[%mul3A_2, %dma_wait3A_18] : memref<131072x128xf32, #tpu.memory_space<hbm>> -> memref<128x128xf32, #tpu.memory_space<hbm>>
    tpu.wait_dma2 semaphore(%arg16 : memref<!tpu.dma_semaphore, #tpu.memory_space<semaphore_mem>>) src(%arg8 : memref<128x128xf32, #tpu.memory_space<vmem>>) dst(%dma_wait3A_19 : memref<128x128xf32, #tpu.memory_space<hbm>>)
    %dma_wait3A_20 = arith.constant 0 : i32
    %dma_wait3A_21 = tpu.memref_slice %arg4[%mul3A_2, %dma_wait3A_20] : memref<131072x128xf32, #tpu.memory_space<hbm>> -> memref<128x128xf32, #tpu.memory_space<hbm>>
    %dma_wait3A_22 = arith.constant 0 : i32
    %dma_wait3A_23 = tpu.memref_slice %arg4[%mul3A_2, %dma_wait3A_22] : memref<131072x128xf32, #tpu.memory_space<hbm>> -> memref<128x128xf32, #tpu.memory_space<hbm>>
    tpu.wait_dma2 semaphore(%arg17 : memref<!tpu.dma_semaphore, #tpu.memory_space<semaphore_mem>>) src(%arg9 : memref<128x128xf32, #tpu.memory_space<vmem>>) dst(%dma_wait3A_23 : memref<128x128xf32, #tpu.memory_space<hbm>>)
    return
  }
}

module attributes {stable_mosaic.version = 14 : i64} {
  func.func @_fps_body(%arg0: memref<4x3x2048xf32, #tpu.memory_space<vmem>>, %arg1: memref<512x4xi32, #tpu.memory_space<vmem>>, %arg2: memref<512x4xf32, #tpu.memory_space<vmem>>, %arg3: memref<512x4xf32, #tpu.memory_space<vmem>>, %arg4: memref<512x4xf32, #tpu.memory_space<vmem>>) attributes {dimension_semantics = [], scalar_prefetch = 0 : i64, scratch_operands = 0 : i64, tpu.core_type = #tpu.core_type<tc>} {
    %get3A = arith.constant 0 : index
    %get3A_0 = arith.constant 0 : index
    %get3A_1 = arith.constant 0 : index
    %get3A_2 = vector.load %arg0[%get3A, %get3A_0, %get3A_1] : memref<4x3x2048xf32, #tpu.memory_space<vmem>>, vector<4x3x2048xf32>
    %slice3A = vector.extract_strided_slice %get3A_2 {offsets = [0, 0, 0], sizes = [4, 1, 2048], strides = [1, 1, 1]} : vector<4x3x2048xf32> to vector<4x1x2048xf32>
    %squeeze3A = vector.shape_cast %slice3A : vector<4x1x2048xf32> to vector<4x2048xf32>
    %slice3A_3 = vector.extract_strided_slice %get3A_2 {offsets = [0, 1, 0], sizes = [4, 1, 2048], strides = [1, 1, 1]} : vector<4x3x2048xf32> to vector<4x1x2048xf32>
    %squeeze3A_4 = vector.shape_cast %slice3A_3 : vector<4x1x2048xf32> to vector<4x2048xf32>
    %slice3A_5 = vector.extract_strided_slice %get3A_2 {offsets = [0, 2, 0], sizes = [4, 1, 2048], strides = [1, 1, 1]} : vector<4x3x2048xf32> to vector<4x1x2048xf32>
    %squeeze3A_6 = vector.shape_cast %slice3A_5 : vector<4x1x2048xf32> to vector<4x2048xf32>
    %iota3A = tpu.iota {dimensions = array<i32: 1>} : vector<4x2048xi32>
    %broadcast_in_dim3A = arith.constant 0x7F800000 : f32
    %broadcast_in_dim3A_7 = vector.broadcast %broadcast_in_dim3A : f32 to vector<4x2048xf32>
    %broadcast_in_dim3A_8 = arith.constant 0 : i32
    %broadcast_in_dim3A_9 = vector.broadcast %broadcast_in_dim3A_8 : i32 to vector<4xi32>
    %scan3A = arith.constant 0 : i32
    %scan3A_10 = arith.constant 512 : i32
    %scan3A_11 = arith.addi %scan3A, %scan3A_10 : i32
    %scan3A_12 = arith.constant 1 : i32
    %scan3A_13:2 = scf.for %scan3A_15 = %scan3A to %scan3A_11 step %scan3A_12 iter_args(%scan3A_16 = %broadcast_in_dim3A_7, %scan3A_17 = %broadcast_in_dim3A_9) -> (vector<4x2048xf32>, vector<4xi32>)  : i32 {
      %broadcast_in_dim3A_18 = vector.shape_cast %scan3A_17 : vector<4xi32> to vector<4x1xi32>
      %eq3A = vector.broadcast %broadcast_in_dim3A_18 : vector<4x1xi32> to vector<4x2048xi32>
      %eq3A_19 = arith.cmpi eq, %iota3A, %eq3A : vector<4x2048xi32>
      %jit3A = arith.constant 0.000000e+00 : f32
      %broadcast_in_dim3A_20 = vector.broadcast %jit3A : f32 to vector<4x2048xf32>
      %select_n3A = arith.select %eq3A_19, %squeeze3A, %broadcast_in_dim3A_20 : vector<4x2048xi1>, vector<4x2048xf32>
      %reduce_sum3A = arith.constant dense<0.000000e+00> : vector<4xf32>
      %reduce_sum3A_21 = vector.multi_reduction <add>, %select_n3A, %reduce_sum3A [1] : vector<4x2048xf32> to vector<4xf32>
      %jit3A_22 = arith.constant 0.000000e+00 : f32
      %broadcast_in_dim3A_23 = vector.broadcast %jit3A_22 : f32 to vector<4x2048xf32>
      %select_n3A_24 = arith.select %eq3A_19, %squeeze3A_4, %broadcast_in_dim3A_23 : vector<4x2048xi1>, vector<4x2048xf32>
      %reduce_sum3A_25 = arith.constant dense<0.000000e+00> : vector<4xf32>
      %reduce_sum3A_26 = vector.multi_reduction <add>, %select_n3A_24, %reduce_sum3A_25 [1] : vector<4x2048xf32> to vector<4xf32>
      %jit3A_27 = arith.constant 0.000000e+00 : f32
      %broadcast_in_dim3A_28 = vector.broadcast %jit3A_27 : f32 to vector<4x2048xf32>
      %select_n3A_29 = arith.select %eq3A_19, %squeeze3A_6, %broadcast_in_dim3A_28 : vector<4x2048xi1>, vector<4x2048xf32>
      %reduce_sum3A_30 = arith.constant dense<0.000000e+00> : vector<4xf32>
      %reduce_sum3A_31 = vector.multi_reduction <add>, %select_n3A_29, %reduce_sum3A_30 [1] : vector<4x2048xf32> to vector<4xf32>
      %broadcast_in_dim3A_32 = vector.shape_cast %scan3A_17 : vector<4xi32> to vector<1x4xi32>
      %swap3A = arith.index_cast %scan3A_15 : i32 to index
      %swap3A_33 = arith.constant 0 : index
      %swap3A_34 = vector.load %arg1[%swap3A, %swap3A_33] : memref<512x4xi32, #tpu.memory_space<vmem>>, vector<1x4xi32>
      tpu.vector_store %arg1[%swap3A, %swap3A_33], %broadcast_in_dim3A_32 {strides = array<i32>} : memref<512x4xi32, #tpu.memory_space<vmem>>, vector<1x4xi32>,
      %broadcast_in_dim3A_35 = vector.shape_cast %reduce_sum3A_21 : vector<4xf32> to vector<1x4xf32>
      %swap3A_36 = arith.index_cast %scan3A_15 : i32 to index
      %swap3A_37 = arith.constant 0 : index
      %swap3A_38 = vector.load %arg2[%swap3A_36, %swap3A_37] : memref<512x4xf32, #tpu.memory_space<vmem>>, vector<1x4xf32>
      tpu.vector_store %arg2[%swap3A_36, %swap3A_37], %broadcast_in_dim3A_35 {strides = array<i32>} : memref<512x4xf32, #tpu.memory_space<vmem>>, vector<1x4xf32>,
      %broadcast_in_dim3A_39 = vector.shape_cast %reduce_sum3A_26 : vector<4xf32> to vector<1x4xf32>
      %swap3A_40 = arith.index_cast %scan3A_15 : i32 to index
      %swap3A_41 = arith.constant 0 : index
      %swap3A_42 = vector.load %arg3[%swap3A_40, %swap3A_41] : memref<512x4xf32, #tpu.memory_space<vmem>>, vector<1x4xf32>
      tpu.vector_store %arg3[%swap3A_40, %swap3A_41], %broadcast_in_dim3A_39 {strides = array<i32>} : memref<512x4xf32, #tpu.memory_space<vmem>>, vector<1x4xf32>,
      %broadcast_in_dim3A_43 = vector.shape_cast %reduce_sum3A_31 : vector<4xf32> to vector<1x4xf32>
      %swap3A_44 = arith.index_cast %scan3A_15 : i32 to index
      %swap3A_45 = arith.constant 0 : index
      %swap3A_46 = vector.load %arg4[%swap3A_44, %swap3A_45] : memref<512x4xf32, #tpu.memory_space<vmem>>, vector<1x4xf32>
      tpu.vector_store %arg4[%swap3A_44, %swap3A_45], %broadcast_in_dim3A_43 {strides = array<i32>} : memref<512x4xf32, #tpu.memory_space<vmem>>, vector<1x4xf32>,
      %broadcast_in_dim3A_47 = vector.shape_cast %reduce_sum3A_21 : vector<4xf32> to vector<4x1xf32>
      %sub3A = vector.broadcast %broadcast_in_dim3A_47 : vector<4x1xf32> to vector<4x2048xf32>
      %sub3A_48 = arith.subf %squeeze3A, %sub3A : vector<4x2048xf32>
      %integer_pow3A = arith.mulf %sub3A_48, %sub3A_48 : vector<4x2048xf32>
      %broadcast_in_dim3A_49 = vector.shape_cast %reduce_sum3A_26 : vector<4xf32> to vector<4x1xf32>
      %sub3A_50 = vector.broadcast %broadcast_in_dim3A_49 : vector<4x1xf32> to vector<4x2048xf32>
      %sub3A_51 = arith.subf %squeeze3A_4, %sub3A_50 : vector<4x2048xf32>
      %integer_pow3A_52 = arith.mulf %sub3A_51, %sub3A_51 : vector<4x2048xf32>
      %add3A = arith.addf %integer_pow3A, %integer_pow3A_52 : vector<4x2048xf32>
      %broadcast_in_dim3A_53 = vector.shape_cast %reduce_sum3A_31 : vector<4xf32> to vector<4x1xf32>
      %sub3A_54 = vector.broadcast %broadcast_in_dim3A_53 : vector<4x1xf32> to vector<4x2048xf32>
      %sub3A_55 = arith.subf %squeeze3A_6, %sub3A_54 : vector<4x2048xf32>
      %integer_pow3A_56 = arith.mulf %sub3A_55, %sub3A_55 : vector<4x2048xf32>
      %add3A_57 = arith.addf %add3A, %integer_pow3A_56 : vector<4x2048xf32>
      %min3A = arith.minimumf %scan3A_16, %add3A_57 : vector<4x2048xf32>
      %argmax3A = tpu.reduce_index %min3A {axis = 1 : i32, kind = #tpu.reduction_kind<arg_max>} : vector<4x2048xf32> -> vector<4xi32>
      scf.yield %min3A, %argmax3A : vector<4x2048xf32>, vector<4xi32>
    }
    %scan3A_14 = arith.constant 512 : i32
    return
  }
}

module attributes {stable_mosaic.version = 14 : i64} {
  func.func @_topk_body(%arg0: i32, %arg1: i32, %arg2: memref<1x3x2048xf32, #tpu.memory_space<vmem>>, %arg3: memref<1x1x1x128xf32, #tpu.memory_space<vmem>>, %arg4: memref<1x1x1x128xf32, #tpu.memory_space<vmem>>, %arg5: memref<1x1x1x128xf32, #tpu.memory_space<vmem>>, %arg6: memref<1x1x64x128xi32, #tpu.memory_space<vmem>>, %arg7: memref<1x1x1x128xi32, #tpu.memory_space<vmem>>, %arg8: memref<128x2048xf32, #tpu.memory_space<vmem>>) attributes {dimension_semantics = [#tpu.dimension_semantics<arbitrary>, #tpu.dimension_semantics<arbitrary>], iteration_bounds = array<i64: 4, 4>, scalar_prefetch = 0 : i64, scratch_operands = 1 : i64, tpu.core_type = #tpu.core_type<tc>, window_params = [{transform_indices = @transform_0, window_bounds = array<i64: 1, 3, 2048>}, {transform_indices = @transform_1, window_bounds = array<i64: 1, 1, 1, 128>}, {transform_indices = @transform_2, window_bounds = array<i64: 1, 1, 1, 128>}, {transform_indices = @transform_3, window_bounds = array<i64: 1, 1, 1, 128>}, {transform_indices = @transform_4, window_bounds = array<i64: 1, 1, 64, 128>}, {transform_indices = @transform_5, window_bounds = array<i64: 1, 1, 1, 128>}]} {
    %get3A = arith.constant 0 : index
    %get3A_0 = arith.constant 0 : index
    %get3A_1 = arith.constant 0 : index
    %get3A_2 = vector.load %arg2[%get3A, %get3A_0, %get3A_1] : memref<1x3x2048xf32, #tpu.memory_space<vmem>>, vector<1x3x2048xf32>
    %slice3A = vector.extract_strided_slice %get3A_2 {offsets = [0, 0, 0], sizes = [1, 1, 2048], strides = [1, 1, 1]} : vector<1x3x2048xf32> to vector<1x1x2048xf32>
    %squeeze3A = vector.shape_cast %slice3A : vector<1x1x2048xf32> to vector<2048xf32>
    %slice3A_3 = vector.extract_strided_slice %get3A_2 {offsets = [0, 1, 0], sizes = [1, 1, 2048], strides = [1, 1, 1]} : vector<1x3x2048xf32> to vector<1x1x2048xf32>
    %squeeze3A_4 = vector.shape_cast %slice3A_3 : vector<1x1x2048xf32> to vector<2048xf32>
    %slice3A_5 = vector.extract_strided_slice %get3A_2 {offsets = [0, 2, 0], sizes = [1, 1, 2048], strides = [1, 1, 1]} : vector<1x3x2048xf32> to vector<1x1x2048xf32>
    %squeeze3A_6 = vector.shape_cast %slice3A_5 : vector<1x1x2048xf32> to vector<2048xf32>
    %get3A_7 = arith.constant 0 : index
    %get3A_8 = arith.constant 0 : index
    %get3A_9 = arith.constant 0 : index
    %get3A_10 = arith.constant 0 : index
    %get3A_11 = vector.load %arg3[%get3A_7, %get3A_8, %get3A_9, %get3A_10] : memref<1x1x1x128xf32, #tpu.memory_space<vmem>>, vector<1x1x1x128xf32>
    %reshape3A = vector.shape_cast %get3A_11 : vector<1x1x1x128xf32> to vector<128xf32>
    %get3A_12 = arith.constant 0 : index
    %get3A_13 = arith.constant 0 : index
    %get3A_14 = arith.constant 0 : index
    %get3A_15 = arith.constant 0 : index
    %get3A_16 = vector.load %arg4[%get3A_12, %get3A_13, %get3A_14, %get3A_15] : memref<1x1x1x128xf32, #tpu.memory_space<vmem>>, vector<1x1x1x128xf32>
    %reshape3A_17 = vector.shape_cast %get3A_16 : vector<1x1x1x128xf32> to vector<128xf32>
    %get3A_18 = arith.constant 0 : index
    %get3A_19 = arith.constant 0 : index
    %get3A_20 = arith.constant 0 : index
    %get3A_21 = arith.constant 0 : index
    %get3A_22 = vector.load %arg5[%get3A_18, %get3A_19, %get3A_20, %get3A_21] : memref<1x1x1x128xf32, #tpu.memory_space<vmem>>, vector<1x1x1x128xf32>
    %reshape3A_23 = vector.shape_cast %get3A_22 : vector<1x1x1x128xf32> to vector<128xf32>
    %broadcast_in_dim3A = vector.shape_cast %reshape3A : vector<128xf32> to vector<128x1xf32>
    %broadcast_in_dim3A_24 = vector.shape_cast %squeeze3A : vector<2048xf32> to vector<1x2048xf32>
    %sub3A = vector.broadcast %broadcast_in_dim3A : vector<128x1xf32> to vector<128x2048xf32>
    %sub3A_25 = vector.broadcast %broadcast_in_dim3A_24 : vector<1x2048xf32> to vector<128x2048xf32>
    %sub3A_26 = arith.subf %sub3A, %sub3A_25 : vector<128x2048xf32>
    %integer_pow3A = arith.mulf %sub3A_26, %sub3A_26 : vector<128x2048xf32>
    %broadcast_in_dim3A_27 = vector.shape_cast %reshape3A_17 : vector<128xf32> to vector<128x1xf32>
    %broadcast_in_dim3A_28 = vector.shape_cast %squeeze3A_4 : vector<2048xf32> to vector<1x2048xf32>
    %sub3A_29 = vector.broadcast %broadcast_in_dim3A_27 : vector<128x1xf32> to vector<128x2048xf32>
    %sub3A_30 = vector.broadcast %broadcast_in_dim3A_28 : vector<1x2048xf32> to vector<128x2048xf32>
    %sub3A_31 = arith.subf %sub3A_29, %sub3A_30 : vector<128x2048xf32>
    %integer_pow3A_32 = arith.mulf %sub3A_31, %sub3A_31 : vector<128x2048xf32>
    %add3A = arith.addf %integer_pow3A, %integer_pow3A_32 : vector<128x2048xf32>
    %broadcast_in_dim3A_33 = vector.shape_cast %reshape3A_23 : vector<128xf32> to vector<128x1xf32>
    %broadcast_in_dim3A_34 = vector.shape_cast %squeeze3A_6 : vector<2048xf32> to vector<1x2048xf32>
    %sub3A_35 = vector.broadcast %broadcast_in_dim3A_33 : vector<128x1xf32> to vector<128x2048xf32>
    %sub3A_36 = vector.broadcast %broadcast_in_dim3A_34 : vector<1x2048xf32> to vector<128x2048xf32>
    %sub3A_37 = arith.subf %sub3A_35, %sub3A_36 : vector<128x2048xf32>
    %integer_pow3A_38 = arith.mulf %sub3A_37, %sub3A_37 : vector<128x2048xf32>
    %add3A_39 = arith.addf %add3A, %integer_pow3A_38 : vector<128x2048xf32>
    %le3A = arith.constant 4.000000e-02 : f32
    %le3A_40 = vector.broadcast %le3A : f32 to vector<128x2048xf32>
    %le3A_41 = arith.cmpf ole, %add3A_39, %le3A_40 : vector<128x2048xf32>
    %neg3A = arith.constant 0.000000e+00 : f32
    %neg3A_42 = vector.broadcast %neg3A : f32 to vector<128x2048xf32>
    %neg3A_43 = arith.subf %neg3A_42, %add3A_39 : vector<128x2048xf32>
    %jit3A = arith.constant 0xFF800000 : f32
    %broadcast_in_dim3A_44 = vector.broadcast %jit3A : f32 to vector<128x2048xf32>
    %select_n3A = arith.select %le3A_41, %neg3A_43, %broadcast_in_dim3A_44 : vector<128x2048xi1>, vector<128x2048xf32>
    %swap3A = arith.constant 0 : index
    %swap3A_45 = arith.constant 0 : index
    %swap3A_46 = vector.load %arg8[%swap3A, %swap3A_45] : memref<128x2048xf32, #tpu.memory_space<vmem>>, vector<128x2048xf32>
    tpu.vector_store %arg8[%swap3A, %swap3A_45], %select_n3A {strides = array<i32>} : memref<128x2048xf32, #tpu.memory_space<vmem>>, vector<128x2048xf32>,
    %convert_element_type3A = arith.extui %le3A_41 : vector<128x2048xi1> to vector<128x2048xi32>
    %reduce_sum3A = arith.constant dense<0> : vector<128xi32>
    %reduce_sum3A_47 = vector.multi_reduction <add>, %convert_element_type3A, %reduce_sum3A [1] : vector<128x2048xi32> to vector<128xi32>
    %broadcast_in_dim3A_48 = vector.shape_cast %reduce_sum3A_47 : vector<128xi32> to vector<1x1x1x128xi32>
    %swap3A_49 = arith.constant 0 : index
    %swap3A_50 = arith.constant 0 : index
    %swap3A_51 = arith.constant 0 : index
    %swap3A_52 = arith.constant 0 : index
    %swap3A_53 = vector.load %arg7[%swap3A_49, %swap3A_50, %swap3A_51, %swap3A_52] : memref<1x1x1x128xi32, #tpu.memory_space<vmem>>, vector<1x1x1x128xi32>
    tpu.vector_store %arg7[%swap3A_49, %swap3A_50, %swap3A_51, %swap3A_52], %broadcast_in_dim3A_48 {strides = array<i32>} : memref<1x1x1x128xi32, #tpu.memory_space<vmem>>, vector<1x1x1x128xi32>,
    %iota3A = tpu.iota {dimensions = array<i32: 1>} : vector<128x2048xi32>
    %scan3A = arith.constant 0 : i32
    %scan3A_54 = arith.constant 64 : i32
    %scan3A_55 = arith.addi %scan3A, %scan3A_54 : i32
    %scan3A_56 = arith.constant 1 : i32
    scf.for %scan3A_58 = %scan3A to %scan3A_55 step %scan3A_56  : i32 {
      %get3A_59 = arith.constant 0 : index
      %get3A_60 = arith.constant 0 : index
      %get3A_61 = vector.load %arg8[%get3A_59, %get3A_60] : memref<128x2048xf32, #tpu.memory_space<vmem>>, vector<128x2048xf32>
      %argmax3A = tpu.reduce_index %get3A_61 {axis = 1 : i32, kind = #tpu.reduction_kind<arg_max>} : vector<128x2048xf32> -> vector<128xi32>
      %broadcast_in_dim3A_62 = vector.shape_cast %argmax3A : vector<128xi32> to vector<1x1x1x128xi32>
      %swap3A_63 = arith.constant 0 : index
      %swap3A_64 = arith.constant 0 : index
      %swap3A_65 = arith.index_cast %scan3A_58 : i32 to index
      %swap3A_66 = arith.constant 0 : index
      %swap3A_67 = vector.load %arg6[%swap3A_63, %swap3A_64, %swap3A_65, %swap3A_66] : memref<1x1x64x128xi32, #tpu.memory_space<vmem>>, vector<1x1x1x128xi32>
      tpu.vector_store %arg6[%swap3A_63, %swap3A_64, %swap3A_65, %swap3A_66], %broadcast_in_dim3A_62 {strides = array<i32>} : memref<1x1x64x128xi32, #tpu.memory_space<vmem>>, vector<1x1x1x128xi32>,
      %broadcast_in_dim3A_68 = vector.shape_cast %argmax3A : vector<128xi32> to vector<128x1xi32>
      %eq3A = vector.broadcast %broadcast_in_dim3A_68 : vector<128x1xi32> to vector<128x2048xi32>
      %eq3A_69 = arith.cmpi eq, %iota3A, %eq3A : vector<128x2048xi32>
      %jit3A_70 = arith.constant 0xFF800000 : f32
      %broadcast_in_dim3A_71 = vector.broadcast %jit3A_70 : f32 to vector<128x2048xf32>
      %select_n3A_72 = arith.select %eq3A_69, %broadcast_in_dim3A_71, %get3A_61 : vector<128x2048xi1>, vector<128x2048xf32>
      %swap3A_73 = arith.constant 0 : index
      %swap3A_74 = arith.constant 0 : index
      %swap3A_75 = vector.load %arg8[%swap3A_73, %swap3A_74] : memref<128x2048xf32, #tpu.memory_space<vmem>>, vector<128x2048xf32>
      tpu.vector_store %arg8[%swap3A_73, %swap3A_74], %select_n3A_72 {strides = array<i32>} : memref<128x2048xf32, #tpu.memory_space<vmem>>, vector<128x2048xf32>,
    }
    %scan3A_57 = arith.constant 64 : i32
    return
  }
  func.func @transform_0(%arg0: i32, %arg1: i32) -> (i32, i32, i32) {
    %c0_i32 = arith.constant 0 : i32
    %c0_i32_0 = arith.constant 0 : i32
    %c0_i32_1 = arith.constant 0 : i32
    return %arg0, %c0_i32, %c0_i32_0 : i32, i32, i32
  }
  func.func @transform_1(%arg0: i32, %arg1: i32) -> (i32, i32, i32, i32) {
    %c0_i32 = arith.constant 0 : i32
    %c0_i32_0 = arith.constant 0 : i32
    %c0_i32_1 = arith.constant 0 : i32
    return %arg0, %arg1, %c0_i32, %c0_i32_0 : i32, i32, i32, i32
  }
  func.func @transform_2(%arg0: i32, %arg1: i32) -> (i32, i32, i32, i32) {
    %c0_i32 = arith.constant 0 : i32
    %c0_i32_0 = arith.constant 0 : i32
    %c0_i32_1 = arith.constant 0 : i32
    return %arg0, %arg1, %c0_i32, %c0_i32_0 : i32, i32, i32, i32
  }
  func.func @transform_3(%arg0: i32, %arg1: i32) -> (i32, i32, i32, i32) {
    %c0_i32 = arith.constant 0 : i32
    %c0_i32_0 = arith.constant 0 : i32
    %c0_i32_1 = arith.constant 0 : i32
    return %arg0, %arg1, %c0_i32, %c0_i32_0 : i32, i32, i32, i32
  }
  func.func @transform_4(%arg0: i32, %arg1: i32) -> (i32, i32, i32, i32) {
    %c0_i32 = arith.constant 0 : i32
    %c0_i32_0 = arith.constant 0 : i32
    %c0_i32_1 = arith.constant 0 : i32
    return %arg0, %arg1, %c0_i32, %c0_i32_0 : i32, i32, i32, i32
  }
  func.func @transform_5(%arg0: i32, %arg1: i32) -> (i32, i32, i32, i32) {
    %c0_i32 = arith.constant 0 : i32
    %c0_i32_0 = arith.constant 0 : i32
    %c0_i32_1 = arith.constant 0 : i32
    return %arg0, %arg1, %c0_i32, %c0_i32_0 : i32, i32, i32, i32
  }
}

module attributes {stable_mosaic.version = 14 : i64} {
  func.func @_q_body(%arg0: i32, %arg1: memref<512x128xf32, #tpu.memory_space<vmem>>, %arg2: memref<512x8xf32, #tpu.memory_space<vmem>>, %arg3: memref<128x128xf32, #tpu.memory_space<vmem>>, %arg4: memref<8x128xf32, #tpu.memory_space<vmem>>, %arg5: memref<1x128xf32, #tpu.memory_space<vmem>>, %arg6: memref<512x128xf32, #tpu.memory_space<vmem>>) attributes {dimension_semantics = [#tpu.dimension_semantics<arbitrary>], iteration_bounds = array<i64: 16>, scalar_prefetch = 0 : i64, scratch_operands = 0 : i64, tpu.core_type = #tpu.core_type<tc>, window_params = [{transform_indices = @transform_0, window_bounds = array<i64: 512, 128>}, {transform_indices = @transform_1, window_bounds = array<i64: 512, 8>}, {pipeline_mode = #tpu.pipeline_mode<synchronous>, transform_indices = @transform_2, window_bounds = array<i64: 128, 128>}, {pipeline_mode = #tpu.pipeline_mode<synchronous>, transform_indices = @transform_3, window_bounds = array<i64: 8, 128>}, {pipeline_mode = #tpu.pipeline_mode<synchronous>, transform_indices = @transform_4, window_bounds = array<i64: 1, 128>}, {transform_indices = @transform_5, window_bounds = array<i64: 512, 128>}]} {
    %get3A = arith.constant 0 : index
    %get3A_0 = arith.constant 0 : index
    %get3A_1 = vector.load %arg1[%get3A, %get3A_0] : memref<512x128xf32, #tpu.memory_space<vmem>>, vector<512x128xf32>
    %get3A_2 = arith.constant 0 : index
    %get3A_3 = arith.constant 0 : index
    %get3A_4 = vector.load %arg3[%get3A_2, %get3A_3] : memref<128x128xf32, #tpu.memory_space<vmem>>, vector<128x128xf32>
    %dot_general3A = arith.constant dense<0.000000e+00> : vector<512x128xf32>
    %dot_general3A_5 = tpu.matmul %get3A_1, %get3A_4, %dot_general3A {dimension_numbers = #tpu.dot_dimension_numbers<[1], [0], [0], [1], [0, 0, 1, 1], [], []>, transpose_lhs_hint = false} : vector<512x128xf32>, vector<128x128xf32>, vector<512x128xf32> -> vector<512x128xf32>
    %get3A_6 = arith.constant 0 : index
    %get3A_7 = arith.constant 0 : index
    %get3A_8 = vector.load %arg2[%get3A_6, %get3A_7] : memref<512x8xf32, #tpu.memory_space<vmem>>, vector<512x8xf32>
    %get3A_9 = arith.constant 0 : index
    %get3A_10 = arith.constant 0 : index
    %get3A_11 = vector.load %arg4[%get3A_9, %get3A_10] : memref<8x128xf32, #tpu.memory_space<vmem>>, vector<8x128xf32>
    %dot_general3A_12 = arith.constant dense<0.000000e+00> : vector<512x128xf32>
    %dot_general3A_13 = tpu.matmul %get3A_8, %get3A_11, %dot_general3A_12 {dimension_numbers = #tpu.dot_dimension_numbers<[1], [0], [0], [1], [0, 0, 1, 1], [], []>, transpose_lhs_hint = false} : vector<512x8xf32>, vector<8x128xf32>, vector<512x128xf32> -> vector<512x128xf32>
    %add3A = arith.addf %dot_general3A_5, %dot_general3A_13 : vector<512x128xf32>
    %get3A_14 = arith.constant 0 : index
    %get3A_15 = arith.constant 0 : index
    %get3A_16 = vector.load %arg5[%get3A_14, %get3A_15] : memref<1x128xf32, #tpu.memory_space<vmem>>, vector<1x128xf32>
    %add3A_17 = vector.broadcast %get3A_16 : vector<1x128xf32> to vector<512x128xf32>
    %add3A_18 = arith.addf %add3A, %add3A_17 : vector<512x128xf32>
    %swap3A = arith.constant 0 : index
    %swap3A_19 = arith.constant 0 : index
    %swap3A_20 = vector.load %arg6[%swap3A, %swap3A_19] : memref<512x128xf32, #tpu.memory_space<vmem>>, vector<512x128xf32>
    tpu.vector_store %arg6[%swap3A, %swap3A_19], %add3A_18 {strides = array<i32>} : memref<512x128xf32, #tpu.memory_space<vmem>>, vector<512x128xf32>,
    return
  }
  func.func @transform_0(%arg0: i32) -> (i32, i32) {
    %c0_i32 = arith.constant 0 : i32
    %c0_i32_0 = arith.constant 0 : i32
    return %arg0, %c0_i32 : i32, i32
  }
  func.func @transform_1(%arg0: i32) -> (i32, i32) {
    %c0_i32 = arith.constant 0 : i32
    %c0_i32_0 = arith.constant 0 : i32
    return %arg0, %c0_i32 : i32, i32
  }
  func.func @transform_2(%arg0: i32) -> (i32, i32) {
    %c0_i32 = arith.constant 0 : i32
    %c0_i32_0 = arith.constant 0 : i32
    %c0_i32_1 = arith.constant 0 : i32
    return %c0_i32, %c0_i32_0 : i32, i32
  }
  func.func @transform_3(%arg0: i32) -> (i32, i32) {
    %c0_i32 = arith.constant 0 : i32
    %c0_i32_0 = arith.constant 0 : i32
    %c0_i32_1 = arith.constant 0 : i32
    return %c0_i32, %c0_i32_0 : i32, i32
  }
  func.func @transform_4(%arg0: i32) -> (i32, i32) {
    %c0_i32 = arith.constant 0 : i32
    %c0_i32_0 = arith.constant 0 : i32
    %c0_i32_1 = arith.constant 0 : i32
    return %c0_i32, %c0_i32_0 : i32, i32
  }
  func.func @transform_5(%arg0: i32) -> (i32, i32) {
    %c0_i32 = arith.constant 0 : i32
    %c0_i32_0 = arith.constant 0 : i32
    return %arg0, %c0_i32 : i32, i32
  }
}

module attributes {stable_mosaic.version = 14 : i64} {
  func.func @_mlp_body(%arg0: i32, %arg1: memref<1x4096x128xf32, #tpu.memory_space<vmem>>, %arg2: memref<1x1x64xi32, #tpu.memory_space<vmem>>, %arg3: memref<1x1x64xf32, #tpu.memory_space<vmem>>, %arg4: memref<1x1x64xf32, #tpu.memory_space<vmem>>, %arg5: memref<1x1x64xf32, #tpu.memory_space<vmem>>, %arg6: memref<8x128xf32, #tpu.memory_space<vmem>>, %arg7: memref<128x128xf32, #tpu.memory_space<vmem>>, %arg8: memref<1x128xf32, #tpu.memory_space<vmem>>, %arg9: memref<1x64x128xf32, #tpu.memory_space<vmem>>) attributes {dimension_semantics = [#tpu.dimension_semantics<arbitrary>], iteration_bounds = array<i64: 32>, scalar_prefetch = 0 : i64, scratch_operands = 0 : i64, tpu.core_type = #tpu.core_type<tc>, window_params = [{transform_indices = @transform_0, window_bounds = array<i64: 1, 4096, 128>}, {transform_indices = @transform_1, window_bounds = array<i64: 1, 1, 64>}, {transform_indices = @transform_2, window_bounds = array<i64: 1, 1, 64>}, {transform_indices = @transform_3, window_bounds = array<i64: 1, 1, 64>}, {transform_indices = @transform_4, window_bounds = array<i64: 1, 1, 64>}, {pipeline_mode = #tpu.pipeline_mode<synchronous>, transform_indices = @transform_5, window_bounds = array<i64: 8, 128>}, {pipeline_mode = #tpu.pipeline_mode<synchronous>, transform_indices = @transform_6, window_bounds = array<i64: 128, 128>}, {pipeline_mode = #tpu.pipeline_mode<synchronous>, transform_indices = @transform_7, window_bounds = array<i64: 1, 128>}, {transform_indices = @transform_8, window_bounds = array<i64: 1, 64, 128>}]} {
    %get3A = arith.constant 0 : index
    %get3A_0 = arith.constant 0 : index
    %get3A_1 = arith.constant 0 : index
    %get3A_2 = vector.load %arg3[%get3A, %get3A_0, %get3A_1] : memref<1x1x64xf32, #tpu.memory_space<vmem>>, vector<1x1x64xf32>
    %reshape3A = vector.shape_cast %get3A_2 : vector<1x1x64xf32> to vector<64xf32>
    %get3A_3 = arith.constant 0 : index
    %get3A_4 = arith.constant 0 : index
    %get3A_5 = arith.constant 0 : index
    %get3A_6 = vector.load %arg4[%get3A_3, %get3A_4, %get3A_5] : memref<1x1x64xf32, #tpu.memory_space<vmem>>, vector<1x1x64xf32>
    %reshape3A_7 = vector.shape_cast %get3A_6 : vector<1x1x64xf32> to vector<64xf32>
    %get3A_8 = arith.constant 0 : index
    %get3A_9 = arith.constant 0 : index
    %get3A_10 = arith.constant 0 : index
    %get3A_11 = vector.load %arg5[%get3A_8, %get3A_9, %get3A_10] : memref<1x1x64xf32, #tpu.memory_space<vmem>>, vector<1x1x64xf32>
    %reshape3A_12 = vector.shape_cast %get3A_11 : vector<1x1x64xf32> to vector<64xf32>
    %get3A_13 = arith.constant 0 : index
    %get3A_14 = arith.constant 0 : index
    %get3A_15 = vector.load %arg6[%get3A_13, %get3A_14] : memref<8x128xf32, #tpu.memory_space<vmem>>, vector<8x128xf32>
    %broadcast_in_dim3A = vector.shape_cast %reshape3A : vector<64xf32> to vector<64x1xf32>
    %slice3A = vector.extract_strided_slice %get3A_15 {offsets = [0, 0], sizes = [1, 128], strides = [1, 1]} : vector<8x128xf32> to vector<1x128xf32>
    %squeeze3A = vector.shape_cast %slice3A : vector<1x128xf32> to vector<128xf32>
    %broadcast_in_dim3A_16 = vector.shape_cast %squeeze3A : vector<128xf32> to vector<1x128xf32>
    %mul3A = vector.broadcast %broadcast_in_dim3A : vector<64x1xf32> to vector<64x128xf32>
    %mul3A_17 = vector.broadcast %broadcast_in_dim3A_16 : vector<1x128xf32> to vector<64x128xf32>
    %mul3A_18 = arith.mulf %mul3A, %mul3A_17 : vector<64x128xf32>
    %broadcast_in_dim3A_19 = vector.shape_cast %reshape3A_7 : vector<64xf32> to vector<64x1xf32>
    %slice3A_20 = vector.extract_strided_slice %get3A_15 {offsets = [1, 0], sizes = [1, 128], strides = [1, 1]} : vector<8x128xf32> to vector<1x128xf32>
    %squeeze3A_21 = vector.shape_cast %slice3A_20 : vector<1x128xf32> to vector<128xf32>
    %broadcast_in_dim3A_22 = vector.shape_cast %squeeze3A_21 : vector<128xf32> to vector<1x128xf32>
    %mul3A_23 = vector.broadcast %broadcast_in_dim3A_19 : vector<64x1xf32> to vector<64x128xf32>
    %mul3A_24 = vector.broadcast %broadcast_in_dim3A_22 : vector<1x128xf32> to vector<64x128xf32>
    %mul3A_25 = arith.mulf %mul3A_23, %mul3A_24 : vector<64x128xf32>
    %add3A = arith.addf %mul3A_18, %mul3A_25 : vector<64x128xf32>
    %broadcast_in_dim3A_26 = vector.shape_cast %reshape3A_12 : vector<64xf32> to vector<64x1xf32>
    %slice3A_27 = vector.extract_strided_slice %get3A_15 {offsets = [2, 0], sizes = [1, 128], strides = [1, 1]} : vector<8x128xf32> to vector<1x128xf32>
    %squeeze3A_28 = vector.shape_cast %slice3A_27 : vector<1x128xf32> to vector<128xf32>
    %broadcast_in_dim3A_29 = vector.shape_cast %squeeze3A_28 : vector<128xf32> to vector<1x128xf32>
    %mul3A_30 = vector.broadcast %broadcast_in_dim3A_26 : vector<64x1xf32> to vector<64x128xf32>
    %mul3A_31 = vector.broadcast %broadcast_in_dim3A_29 : vector<1x128xf32> to vector<64x128xf32>
    %mul3A_32 = arith.mulf %mul3A_30, %mul3A_31 : vector<64x128xf32>
    %add3A_33 = arith.addf %add3A, %mul3A_32 : vector<64x128xf32>
    %get3A_34 = arith.constant 0 : index
    %get3A_35 = arith.constant 0 : index
    %get3A_36 = arith.constant 0 : index
    %get3A_37 = vector.load %arg1[%get3A_34, %get3A_35, %get3A_36] : memref<1x4096x128xf32, #tpu.memory_space<vmem>>, vector<1x4096x128xf32>
    %reshape3A_38 = vector.shape_cast %get3A_37 : vector<1x4096x128xf32> to vector<64x64x128xf32>
    %broadcast_in_dim3A_39 = vector.shape_cast %add3A_33 : vector<64x128xf32> to vector<64x1x128xf32>
    %broadcast_in_dim3A_40 = vector.broadcast %broadcast_in_dim3A_39 : vector<64x1x128xf32> to vector<64x64x128xf32>
    %sub3A = arith.subf %reshape3A_38, %broadcast_in_dim3A_40 : vector<64x64x128xf32>
    %max3A = arith.constant 0.000000e+00 : f32
    %max3A_41 = vector.broadcast %max3A : f32 to vector<64x64x128xf32>
    %max3A_42 = arith.maximumf %sub3A, %max3A_41 : vector<64x64x128xf32>
    %reshape3A_43 = vector.shape_cast %max3A_42 : vector<64x64x128xf32> to vector<4096x128xf32>
    %get3A_44 = arith.constant 0 : index
    %get3A_45 = arith.constant 0 : index
    %get3A_46 = vector.load %arg7[%get3A_44, %get3A_45] : memref<128x128xf32, #tpu.memory_space<vmem>>, vector<128x128xf32>
    %dot_general3A = arith.constant dense<0.000000e+00> : vector<4096x128xf32>
    %dot_general3A_47 = tpu.matmul %reshape3A_43, %get3A_46, %dot_general3A {dimension_numbers = #tpu.dot_dimension_numbers<[1], [0], [0], [1], [0, 0, 1, 1], [], []>, transpose_lhs_hint = false} : vector<4096x128xf32>, vector<128x128xf32>, vector<4096x128xf32> -> vector<4096x128xf32>
    %get3A_48 = arith.constant 0 : index
    %get3A_49 = arith.constant 0 : index
    %get3A_50 = arith.constant 0 : index
    %get3A_51 = vector.load %arg2[%get3A_48, %get3A_49, %get3A_50] : memref<1x1x64xi32, #tpu.memory_space<vmem>>, vector<1x1x64xi32>
    %reshape3A_52 = vector.shape_cast %get3A_51 : vector<1x1x64xi32> to vector<64xi32>
    %iota3A = tpu.iota {dimensions = array<i32: 1>} : vector<64x64xi32>
    %broadcast_in_dim3A_53 = vector.shape_cast %reshape3A_52 : vector<64xi32> to vector<64x1xi32>
    %lt3A = vector.broadcast %broadcast_in_dim3A_53 : vector<64x1xi32> to vector<64x64xi32>
    %lt3A_54 = arith.cmpi slt, %iota3A, %lt3A : vector<64x64xi32>
    %jit3A = arith.constant 0.000000e+00 : f32
    %jit3A_55 = arith.constant 0xFF800000 : f32
    %broadcast_in_dim3A_56 = vector.broadcast %jit3A : f32 to vector<64x64xf32>
    %broadcast_in_dim3A_57 = vector.broadcast %jit3A_55 : f32 to vector<64x64xf32>
    %select_n3A = arith.select %lt3A_54, %broadcast_in_dim3A_56, %broadcast_in_dim3A_57 : vector<64x64xi1>, vector<64x64xf32>
    %reshape3A_58 = vector.shape_cast %dot_general3A_47 : vector<4096x128xf32> to vector<64x64x128xf32>
    %broadcast_in_dim3A_59 = vector.shape_cast %select_n3A : vector<64x64xf32> to vector<64x64x1xf32>
    %broadcast_in_dim3A_60 = vector.broadcast %broadcast_in_dim3A_59 : vector<64x64x1xf32> to vector<64x64x128xf32>
    %add3A_61 = arith.addf %reshape3A_58, %broadcast_in_dim3A_60 : vector<64x64x128xf32>
    %reduce_max3A = arith.constant dense<0xFF800000> : vector<64x128xf32>
    %reduce_max3A_62 = vector.multi_reduction <maximumf>, %add3A_61, %reduce_max3A [1] : vector<64x64x128xf32> to vector<64x128xf32>
    %get3A_63 = arith.constant 0 : index
    %get3A_64 = arith.constant 0 : index
    %get3A_65 = vector.load %arg8[%get3A_63, %get3A_64] : memref<1x128xf32, #tpu.memory_space<vmem>>, vector<1x128xf32>
    %add3A_66 = vector.broadcast %get3A_65 : vector<1x128xf32> to vector<64x128xf32>
    %add3A_67 = arith.addf %reduce_max3A_62, %add3A_66 : vector<64x128xf32>
    %broadcast_in_dim3A_68 = vector.shape_cast %add3A_67 : vector<64x128xf32> to vector<1x64x128xf32>
    %swap3A = arith.constant 0 : index
    %swap3A_69 = arith.constant 0 : index
    %swap3A_70 = arith.constant 0 : index
    %swap3A_71 = vector.load %arg9[%swap3A, %swap3A_69, %swap3A_70] : memref<1x64x128xf32, #tpu.memory_space<vmem>>, vector<1x64x128xf32>
    tpu.vector_store %arg9[%swap3A, %swap3A_69, %swap3A_70], %broadcast_in_dim3A_68 {strides = array<i32>} : memref<1x64x128xf32, #tpu.memory_space<vmem>>, vector<1x64x128xf32>,
    return
  }
  func.func @transform_0(%arg0: i32) -> (i32, i32, i32) {
    %c0_i32 = arith.constant 0 : i32
    %c0_i32_0 = arith.constant 0 : i32
    %c0_i32_1 = arith.constant 0 : i32
    return %arg0, %c0_i32, %c0_i32_0 : i32, i32, i32
  }
  func.func @transform_1(%arg0: i32) -> (i32, i32, i32) {
    %c0_i32 = arith.constant 0 : i32
    %c0_i32_0 = arith.constant 0 : i32
    %c0_i32_1 = arith.constant 0 : i32
    return %arg0, %c0_i32, %c0_i32_0 : i32, i32, i32
  }
  func.func @transform_2(%arg0: i32) -> (i32, i32, i32) {
    %c0_i32 = arith.constant 0 : i32
    %c0_i32_0 = arith.constant 0 : i32
    %c0_i32_1 = arith.constant 0 : i32
    return %arg0, %c0_i32, %c0_i32_0 : i32, i32, i32
  }
  func.func @transform_3(%arg0: i32) -> (i32, i32, i32) {
    %c0_i32 = arith.constant 0 : i32
    %c0_i32_0 = arith.constant 0 : i32
    %c0_i32_1 = arith.constant 0 : i32
    return %arg0, %c0_i32, %c0_i32_0 : i32, i32, i32
  }
  func.func @transform_4(%arg0: i32) -> (i32, i32, i32) {
    %c0_i32 = arith.constant 0 : i32
    %c0_i32_0 = arith.constant 0 : i32
    %c0_i32_1 = arith.constant 0 : i32
    return %arg0, %c0_i32, %c0_i32_0 : i32, i32, i32
  }
  func.func @transform_5(%arg0: i32) -> (i32, i32) {
    %c0_i32 = arith.constant 0 : i32
    %c0_i32_0 = arith.constant 0 : i32
    %c0_i32_1 = arith.constant 0 : i32
    return %c0_i32, %c0_i32_0 : i32, i32
  }
  func.func @transform_6(%arg0: i32) -> (i32, i32) {
    %c0_i32 = arith.constant 0 : i32
    %c0_i32_0 = arith.constant 0 : i32
    %c0_i32_1 = arith.constant 0 : i32
    return %c0_i32, %c0_i32_0 : i32, i32
  }
  func.func @transform_7(%arg0: i32) -> (i32, i32) {
    %c0_i32 = arith.constant 0 : i32
    %c0_i32_0 = arith.constant 0 : i32
    %c0_i32_1 = arith.constant 0 : i32
    return %c0_i32, %c0_i32_0 : i32, i32
  }
  func.func @transform_8(%arg0: i32) -> (i32, i32, i32) {
    %c0_i32 = arith.constant 0 : i32
    %c0_i32_0 = arith.constant 0 : i32
    %c0_i32_1 = arith.constant 0 : i32
    return %arg0, %c0_i32, %c0_i32_0 : i32, i32, i32
  }
}

</mosaic_0001>

<sc_bundles>
// kernel: kernel.7.cloned.1.call-start
scs
__scs_entry_jumppad:
0x0: {  	(pc) =	sbr.rel $0x88, $3  }
0x1: {  	(tag) =	ssettag $0x0;
	lr =	simm.s32 $0x1  }
0x2: {  	[smem:$0x3F9B] =	sst lr;
	_ =	strace $0xD0000000  }
0x3: {  	_ = 	snop  }
0x4: {  	_ = 	snop  }
0x5: {  	_ = 	snop  }
0x6: {  	_ = 	snop  }
0x7: {  	_ = 	snop  }
__scs_overlays_trampoline_lowered:
0x8: {  	[smem:$0x3FAA] =	sst s0  }
0x9: {  	[smem:$0x3FAB] =	sst s1  }
0xa: {  	[smem:$0x3FAC] =	sst s2  }
0xb: {  	[smem:$0x3FAD] =	sst s3  }
0xc: {  	[smem:$0x3FAE] =	sst s4  }
0xd: {  	[smem:$0x3FAF] =	sst s5  }
0xe: {  	[smem:$0x3FB0] =	sst s6  }
0xf: {  	[smem:$0x3FB1] =	sst s7  }
0x10: {  	[smem:$0x3FB2] =	sst s8  }
0x11: {  	[smem:$0x3FB3] =	sst s9;
	s0 =	simm.s32 @!p0 $0x0  }
0x12: {  	s1 =	sld [smem:$0x3F99];
	s0 =	simm.s32 @p0 $0x1  }
0x13: {  	[smem:$0x3FB4] =	sst s0;
	s0 =	simm.s32 @!p1 $0x0  }
0x14: {  	s2 =	sld [smem:$0x3F98];
	s0 =	simm.s32 @p1 $0x1  }
0x15: {  	[smem:$0x3FB5] =	sst s0;
	s0 =	simm.s32 @!p2 $0x0  }
0x16: {  	s3 =	sld [smem:$0x3FDB];
	s0 =	simm.s32 @p2 $0x1  }
0x17: {  	s4 =	simm.s32 $0x1BF5;
	[smem:$0x3FB7] =	sst s0  }
0x18: {  	s0 =	sld [smem:$0x3F9A];
	_ =	swait.ge [sflag:s4], $0x0  }
0x19: {  	s7 =	sld [smem:$0x3F9B]  }
0x1a: {  	s8 =	sadd.s32 $0xFFFFE003, lr  }
0x1b: {  	s9 =	sadd.s32 $0xFFFFFEF7, lr;
	s5 =	simm.s32 $0xFFFFFFFF;
	p2 =	slt.u32 s8, $0xFFFFF086  }
0x1c: {  	p1 =	slt.u32 s9, $0xF7A;
	s5 =	simm.s32 @!p2 $0x0  }
0x1d: {  	s5 =	simm.s32 @p1 $0x1;
	p0 =	seq.s32 s7, s2  }
0x1e: {  	s7 =	smul.u32 @!p0 $0xF7A, s2;
	p2 =	seq.s32 @!p0 s5, $0x0  }
0x1f: {  	s9 =	smul.u32 $0xF7A, s1;
	s8 =	simm.s32 @!p0 $0x1BF5;
	p2 =	por !p2, p0  }
0x20: {  	[sflag:s8] =	ssyncset.s32 @!p0 $0xFFFFF086;
	s6 =	sadd.s32 @!p0 s3, s7;
	s7 =	simm.s32 @!p0 $0x108  }
0x21: {  	s3 =	sadd.s32 s3, s9;
	s6 =	sadd.s32 @!p0 $0x88, s6;
	s7 =	simm.s32 @p2 $0x1082  }
0x22: {  	[simem:s7], [sflag:s8] =	dma.local @!p0 [hbm:s6], $0xF7A  }
0x23: {  	s9 =	sor.u32 $0xD0000000, s2;
	s6 =	simm.s32 $0x108;
	_ =	swait.ge @!p0 [sflag:s8], $0x0  }
0x24: {  	s3 =	sadd.s32 $0x88, s3;
	s6 =	simm.s32 @!p1 $0x1082;
	[sflag:s4] =	ssyncset.s32 $0xFFFFF086  }
0x25: {  	[simem:s6], [sflag:s4] =	dma.local [hbm:s3], $0xF7A  }
0x26: {  	[smem:$0x3F9B] =	sst s1;
	(tag) =	ssettag s2;
	_ =	strace s9  }
0x27: {  	s1 =	sld [smem:$0x3FAB]  }
0x28: {  	s2 =	sld [smem:$0x3FAC]  }
0x29: {  	s4 =	sld [smem:$0x3FAE]  }
0x2a: {  	p0 =	seq.s32 s5, $0x0;
	s5 =	sld [smem:$0x3FAF]  }
0x2b: {  	s6 =	sld [smem:$0x3FB0]  }
0x2c: {  	s7 =	sld [smem:$0x3FB1]  }
0x2d: {  	s3 =	simm.s32 $0x108;
	s8 =	sld [smem:$0x3FB2]  }
0x2e: {  	s3 =	simm.s32 @!p0 $0x1082;
	s9 =	sld [smem:$0x3FB3]  }
0x2f: {  	lr =	sadd.s32 s0, s3;
	s0 =	sld [smem:$0x3FAA]  }
0x30: {  	s3 =	sld [smem:$0x3FAD]  }
0x31: {  	[smem:$0x3FB6] =	sst s10  }
0x32: {  	s10 =	sld [smem:$0x3FB4];
	_ =	sdelay $0x3  }
0x33: {  	p0 =	seq.s32 s10, $0x1;
	s10 =	sld [smem:$0x3FB6];
	_ =	sdelay $0x3  }
0x34: {  	[smem:$0x3FB6] =	sst s10  }
0x35: {  	s10 =	sld [smem:$0x3FB5];
	_ =	sdelay $0x3  }
0x36: {  	p1 =	seq.s32 s10, $0x1;
	s10 =	sld [smem:$0x3FB6];
	_ =	sdelay $0x3  }
0x37: {  	[smem:$0x3FB6] =	sst s10  }
0x38: {  	s10 =	sld [smem:$0x3FB7]  }
0x39: {  	_ = 	snop;
	(pc) =	sbr.ind lr, $3  }
0x3a: {  	_ = 	snop  }
0x3b: {  	_ = 	snop  }
0x3c: {  	p2 =	seq.s32 s10, $0x1;
	s10 =	sld [smem:$0x3FB6]  }
0x3d: {  	_ =	shalt  }
0x3e: {  	_ =	shalt  }
0x3f: {  	_ =	shalt  }
0x40: {  	_ =	shalt  }
0x41: {  	_ =	shalt  }
0x42: {  	_ =	shalt  }
0x43: {  	_ =	shalt  }
0x44: {  	_ =	shalt  }
0x45: {  	_ =	shalt  }
0x46: {  	_ =	shalt  }
0x47: {  	_ =	shalt  }
0x48: {  	_ =	shalt  }
0x49: {  	_ =	shalt  }
0x4a: {  	_ =	shalt  }
0x4b: {  	_ =	shalt  }
0x4c: {  	_ =	shalt  }
0x4d: {  	_ =	shalt  }
0x4e: {  	_ =	shalt  }
0x4f: {  	_ =	shalt  }
0x50: {  	_ =	shalt  }
0x51: {  	_ =	shalt  }
0x52: {  	_ =	shalt  }
0x53: {  	_ =	shalt  }
0x54: {  	_ =	shalt  }
0x55: {  	_ =	shalt  }
0x56: {  	_ =	shalt  }
0x57: {  	_ =	shalt  }
0x58: {  	_ =	shalt  }
0x59: {  	_ =	shalt  }
0x5a: {  	_ =	shalt  }
0x5b: {  	_ =	shalt  }
0x5c: {  	_ =	shalt  }
0x5d: {  	_ =	shalt  }
0x5e: {  	_ =	shalt  }
0x5f: {  	_ =	shalt  }
0x60: {  	_ =	shalt  }
0x61: {  	_ =	shalt  }
0x62: {  	_ =	shalt  }
0x63: {  	_ =	shalt  }
0x64: {  	_ =	shalt  }
0x65: {  	_ =	shalt  }
0x66: {  	_ =	shalt  }
0x67: {  	_ =	shalt  }
0x68: {  	_ =	shalt  }
0x69: {  	_ =	shalt  }
0x6a: {  	_ =	shalt  }
0x6b: {  	_ =	shalt  }
0x6c: {  	_ =	shalt  }
0x6d: {  	_ =	shalt  }
0x6e: {  	_ =	shalt  }
0x6f: {  	_ =	shalt  }
0x70: {  	_ =	shalt  }
0x71: {  	_ =	shalt  }
0x72: {  	_ =	shalt  }
0x73: {  	_ =	shalt  }
0x74: {  	_ =	shalt  }
0x75: {  	_ =	shalt  }
0x76: {  	_ =	shalt  }
0x77: {  	_ =	shalt  }
0x78: {  	_ =	shalt  }
0x79: {  	_ =	shalt  }
0x7a: {  	_ =	shalt  }
0x7b: {  	_ =	shalt  }
0x7c: {  	_ =	shalt  }
0x7d: {  	_ =	shalt  }
0x7e: {  	_ =	shalt  }
0x7f: {  	_ =	shalt  }
0x80: {  	_ =	shalt  }
0x81: {  	_ =	shalt  }
0x82: {  	_ =	shalt  }
0x83: {  	_ =	shalt  }
0x84: {  	_ =	shalt  }
0x85: {  	_ =	shalt  }
0x86: {  	_ =	shalt  }
0x87: {  	_ =	shalt  }
.Lfunc_end0:
.L_simem_size_0:
called_computation_lowered:
.L_overlay_start_0:
0x88: {  	s2 =	sld [smem:$0x3FD9]  }
0x89: {  	s3 =	sld [smem:$0x3FFE];
	_ =	sdelay $0x1  }
0x8a: {  	s1 =	srdreg.scid  }
0x8b: {  	s0 =	sand.u32 $0x1, s1  }
0x8c: {  	s14 =	sshll.u32 s0, $0xA;
	s2 =	sadd.s32 s3, s2  }
0x8d: {  	s2 =	sadd.s32 s2, s14  }
0x8e: {  	[smem:$0x3FC2] =	sst s2  }
0x8f: {  	_ = 	snop  }
0x90: {  	s2 =	sld [smem:$0x3FD0];
	_ =	sdelay $0x2  }
0x91: {  	s15 =	simm.s32 $0xA;
	s4 =	simm.s32 $0x10  }
0x92: {  	[smem:s4], [sflag:s15] =	dma.local [hbm:s2], $0x1  }
0x93: {  	_ =	swait.eq [sflag:s15], $0x1  }
0x94: {  	[sflag:s15] =	ssyncset.done $0x0  }
0x95: {  	[sflag:s15] =	ssyncadd.s32 $0xFFFFFFFF  }
0x96: {  	s16 =	sld [smem:$0x10];
	(tm) =	ssettm $0x1  }
0x97: {  	s17 =	sld [smem:$0x3FFB];
	_ =	sdelay $0x3  }
0x98: {  	_ =	strace s17  }
0x99: {  	s3 =	sld [smem:$0x3FFC];
	_ =	sdelay $0x3  }
0x9a: {  	_ =	strace s3  }
0x9b: {  	s3 =	sld [smem:$0x3FFD];
	_ =	sdelay $0x3  }
0x9c: {  	_ =	strace s3  }
0x9d: {  	_ =	strace $0x8FFFFFFF  }
0x9e: {  	s18 =	sld [smem:$0x3FDB];
	_ =	sdelay $0x1  }
0x9f: {  	s19 =	simm.s32 $_scs_section_size  }
0xa0: {  	s5 =	simm.s32 $_size__tile_overlayer_lowered;
	s6 =	simm.s32 $_tile_overlayer_lowered  }
0xa1: {  	s22 =	simm.s32 $0x1BFF;
	s21 =	sshll.u32 s6, $0x1;
	s3 =	sadd.s32 s19, s18  }
0xa2: {  	s7 =	simm.s32 $0x0;
	s20 =	sshll.u32 s5, $0x1;
	s5 =	sadd.s32 s21, s3  }
0xa3: {  	[timem:s7], [sflag:s22] =	dma.local [hbm:s5], s20  }
0xa4: {  	_ =	swait.ge [sflag:s22], s20  }
0xa5: {  	s4 =	ssub.s32 $0x0, s20;
	[sflag:s22] =	ssyncset.done $0x0  }
0xa6: {  	[sflag:s22] =	ssyncadd.s32 s4;
	_ =	sdelay $0x1  }
0xa7: {  	s23 =	simm.s32 $0x1B8B  }
0xa8: {  	_ =	swait.ge [sflag:s23], $0x1  }
0xa9: {  	[sflag:s23] =	ssyncset.done $0x0  }
0xaa: {  	s25 =	simm.s32 $0x1B8E;
	s24 =	sld [smem:$0x3FFE];
	[sflag:s23] =	ssyncadd.s32 $0xFFFFFFFF  }
0xab: {  	s26 =	simm.s32 $execute0_lowered;
	[smem:$0x3FD2] =	sst s25  }
0xac: {  	s5 =	sshll.u32 s26, $0x1;
	_ =	strace $0x80000046;
	[dreg:$0x1] =	wrdreg $0xFFFFFFFF  }
0xad: {  	s28 =	simm.s32 $_size_execute0_lowered;
	s3 =	sadd.s32 s3, s5;
	[dreg:$0x0] =	wrdreg $0x0  }
0xae: {  	s5 =	sshll.u32 s28, $0x1;
	[dreg:$0x2] =	wrdreg s3  }
0xaf: {  	[dreg:$0x3] =	wrdreg s5  }
0xb0: {  	[dreg:$0x4] =	wrdreg $0xC0  }
0xb1: {  	_ =	task [dreg:s7], $0x5FFFF  }
0xb2: {  	[dreg:$0x1] =	wrdreg $0xFFFFFFFF  }
0xb3: {  	[dreg:$0x0] =	wrdreg $0x60  }
0xb4: {  	[dreg:$0x2] =	wrdreg s24  }
0xb5: {  	[dreg:$0x3] =	wrdreg s16  }
0xb6: {  	[dreg:$0x4] =	wrdreg $0x9  }
0xb7: {  	_ =	task.clear_ibuf [dreg:s7], $0x5FFFF;
	_ =	strace $0x90000046  }
0xb8: {  	s29 =	simm.s32 $0x9;
	_ =	strace $0x80000048  }
0xb9: {  	_ =	swait.ge [sflag:s29], $0x1  }
0xba: {  	[sflag:s29] =	ssyncadd.s32 $0xFFFFFFFF  }
0xbb: {  	_ =	strace $0x90000048  }
0xbc: {  	_ =	sfence  }
0xbd: {  	s30 =	sld [smem:$0x0];
	_ =	sdelay $0x2  }
0xbe: {  	s31 =	sshll.u32 s1, $0xD;
	s1 =	sshrl.u32 s1, $0x2  }
0xbf: {  	s3 =	sand.u32 $0x4000, s31;
	s1 =	sadd.s32 s1, s30  }
0xc0: {  	s0 =	sor.u32 s3, s0;
	s1 =	sshll.u32 s1, $0x11  }
0xc1: {  	s0 =	sor.u32 s1, s0  }
0xc2: {  	s0 =	sadd.s32 $0x8F2B, s0  }
0xc3: {  	[sflag:s0] =	ssyncadd.remote.s32 $0x1  }
0xc4: {  	_ =	sfence.sel $0xFFFF  }
0xc5: {  	[dreg:$0x0] =	wrdreg $0xFFFFFFFF;
	(pc) =	sbr.abs _section_cstart, $3  }
0xc6: {  	[dreg:$0x1] =	wrdreg $0xFFFFFFFF  }
0xc7: {  	_ =	task.clear_ibuf [dreg:s7], $0x2FFFF;
	_ =	strace $0x9FFFFFFF  }
0xc8: {  	(tm) =	ssettm $0x7FFFFFFF  }
0xc9: {  	_ =	shalt  }
tec
execute0_lowered:
.L_overlay_start_1:
0x0: {  	(tag) =	ssettag $0x1  }
0x1: {  	s4 =	rddreg [dreg:$0x0]  }
0x2: {  	s5 =	rddreg [dreg:$0x1];
	s1 =	simm.s32 $0x0  }
0x3: {  	s6 =	srdreg.scid;
	s2 =	stileid.u32;
	s13 =	simm.s32 $0x1000  }
0x4: {  	s14 =	simm.s32 $0x5000;
	s15 =	simm.s32 $0x100;
	s16 =	simm.s32 $0x9000  }
0x5: {  	s17 =	simm.s32 $0x180;
	s18 =	simm.s32 $0xD000;
	s19 =	simm.s32 $0x1  }
0x6: {  	s20 =	simm.s32 $0x2;
	s21 =	simm.s32 $0x3;
	s22 =	simm.s32 $0x4  }
0x7: {  	s23 =	simm.s32 $0x5;
	s24 =	simm.s32 $0x6;
	s25 =	simm.s32 $0x7  }
0x8: {  	s26 =	simm.s32 $0x8;
	s28 =	simm.s32 $0x0;
	[smem:$0x7FF] =	sst s1  }
0x9: {  	s3 =	sadd.s32 $0x1400, s4;
	s10 =	sand.u32 $0x1, s6;
	s7 =	sshll.u32 s2, $0xD  }
0xa: {  	s11 =	sadd.s32 $0x21400, s4;
	s12 =	sshll.u32 s2, $0x11;
	s8 =	sshll.u32 s10, $0xC  }
0xb: {  	_ =	strace $0x80000047;
	s6 =	ssub.s32 $0x2, s10;
	s7 =	sor.u32 s8, s7  }
0xc: {  	s10 =	sshll.u32 s10, $0x10;
	s30 =	sshrl.u32 s6, $0x1;
	s31 =	sshrl.u32 s7, $0x3  }
0xd: {  	s6 =	ssub.s32 s6, s30;
	s7 =	sshll.u32 s7, $0x4;
	s4 =	sadd.s32 s5, s31  }
0xe: {  	s5 =	sadd.s32 s11, s7;
	s6 =	smax.u32 s6, $0x1;
	s11 =	sadd.s32 s12, s11  }
0xf: {  	s12 =	simm.s32 $0x80;
	s7 =	sadd.s32 $0x800, s5;
	s8 =	sadd.s32 $0x1000, s5  }
0x10: {  	s9 =	sadd.s32 $0x1800, s5;
	s10 =	sadd.s32 s10, s11;
	s11 =	simm.s32 $0x9  }
.LBB2_1:
0x11: {  	[tilespmem:s1], [sflag:$0x9] =	stream.linear.gather [hbm4b:s4+s1], $0x1000, $0x38;
	[tilespmem:$0x11000] =	vst v63  }
0x12: {  	_ =	swait.ge [sflag:s11], $0x1000  }
0x13: {  	[sflag:s11] =	ssyncset.done $0x0  }
0x14: {  	[sflag:s11] =	ssyncadd.s32 $0xFFFFF000  }
0x15: {  	[tilespmem:s13], [sflag:$0x1] =	stream.indirect.gather [hbm4b:s3+s12], $0x80, s1, s12, $0xb8;
	[tilespmem:$0x11000] =	vst v63  }
0x16: {  	_ = 	snop  }
0x17: {  	[tilespmem:s14], [sflag:$0x2] =	stream.indirect.gather [hbm4b:s3+s12], $0x80, s12, s12, $0xb8;
	[tilespmem:$0x11000] =	vst v63  }
0x18: {  	_ = 	snop  }
0x19: {  	[tilespmem:s16], [sflag:$0x3] =	stream.indirect.gather [hbm4b:s3+s12], $0x80, s15, s12, $0xb8;
	[tilespmem:$0x11000] =	vst v63  }
0x1a: {  	_ = 	snop  }
0x1b: {  	[tilespmem:s18], [sflag:$0x4] =	stream.indirect.gather [hbm4b:s3+s12], $0x80, s17, s12, $0xb8;
	[tilespmem:$0x11000] =	vst v63  }
0x1c: {  	_ =	swait.ge [sflag:s19], $0x4000  }
0x1d: {  	[sflag:s19] =	ssyncset.done $0x0  }
0x1e: {  	[sflag:s19] =	ssyncadd.s32 $0xFFFFC000  }
0x1f: {  	[hbm4b:s5+s1] =	stream.linear.scatter [tilespmem:s13], [sflag:$0x5], $0x4000, $0x38;
	[tilespmem:$0x11000] =	vst v63  }
0x20: {  	_ =	swait.ge [sflag:s20], $0x4000  }
0x21: {  	[sflag:s20] =	ssyncset.done $0x0  }
0x22: {  	[sflag:s20] =	ssyncadd.s32 $0xFFFFC000  }
0x23: {  	[hbm4b:s7+s1] =	stream.linear.scatter [tilespmem:s14], [sflag:$0x6], $0x4000, $0x38;
	[tilespmem:$0x11000] =	vst v63  }
0x24: {  	_ =	swait.ge [sflag:s21], $0x4000  }
0x25: {  	[sflag:s21] =	ssyncset.done $0x0  }
0x26: {  	[sflag:s21] =	ssyncadd.s32 $0xFFFFC000  }
0x27: {  	[hbm4b:s8+s1] =	stream.linear.scatter [tilespmem:s16], [sflag:$0x7], $0x4000, $0x38;
	[tilespmem:$0x11000] =	vst v63  }
0x28: {  	_ =	swait.ge [sflag:s22], $0x4000  }
0x29: {  	[sflag:s22] =	ssyncset.done $0x0  }
0x2a: {  	[sflag:s22] =	ssyncadd.s32 $0xFFFFC000  }
0x2b: {  	[hbm4b:s9+s1] =	stream.linear.scatter [tilespmem:s18], [sflag:$0x8], $0x4000, $0x38;
	[tilespmem:$0x11000] =	vst v63  }
0x2c: {  	_ =	swait.ge [sflag:s23], $0x4000  }
0x2d: {  	[sflag:s23] =	ssyncset.done $0x0  }
0x2e: {  	s29 =	simm.s32 $0x200;
	[sflag:s23] =	ssyncadd.s32 $0xFFFFC000  }
0x2f: {  	[tilespmem:s13], [sflag:$0x1] =	stream.indirect.gather [hbm4b:s3+s12], $0x80, s29, s12, $0xb8;
	[tilespmem:$0x11000] =	vst v63  }
0x30: {  	_ =	swait.ge [sflag:s24], $0x4000  }
0x31: {  	[sflag:s24] =	ssyncset.done $0x0  }
0x32: {  	s29 =	simm.s32 $0x280;
	[sflag:s24] =	ssyncadd.s32 $0xFFFFC000  }
0x33: {  	[tilespmem:s14], [sflag:$0x2] =	stream.indirect.gather [hbm4b:s3+s12], $0x80, s29, s12, $0xb8;
	[tilespmem:$0x11000] =	vst v63  }
0x34: {  	_ =	swait.ge [sflag:s25], $0x4000  }
0x35: {  	[sflag:s25] =	ssyncset.done $0x0  }
0x36: {  	s29 =	simm.s32 $0x300;
	[sflag:s25] =	ssyncadd.s32 $0xFFFFC000  }
0x37: {  	[tilespmem:s16], [sflag:$0x3] =	stream.indirect.gather [hbm4b:s3+s12], $0x80, s29, s12, $0xb8;
	[tilespmem:$0x11000] =	vst v63  }
0x38: {  	_ =	swait.ge [sflag:s26], $0x4000  }
0x39: {  	[sflag:s26] =	ssyncset.done $0x0  }
0x3a: {  	s29 =	simm.s32 $0x380;
	[sflag:s26] =	ssyncadd.s32 $0xFFFFC000  }
0x3b: {  	[tilespmem:s18], [sflag:$0x4] =	stream.indirect.gather [hbm4b:s3+s12], $0x80, s29, s12, $0xb8;
	[tilespmem:$0x11000] =	vst v63  }
0x3c: {  	_ =	swait.ge [sflag:s19], $0x4000  }
0x3d: {  	s30 =	sadd.s32 $0x0, s10;
	[sflag:s19] =	ssyncset.done $0x0  }
0x3e: {  	s29 =	sadd.s32 $0x2000, s30;
	[sflag:s19] =	ssyncadd.s32 $0xFFFFC000  }
0x3f: {  	[hbm4b:s29+s1] =	stream.linear.scatter [tilespmem:s13], [sflag:$0x5], $0x4000, $0x38;
	[tilespmem:$0x11000] =	vst v63  }
0x40: {  	_ =	swait.ge [sflag:s20], $0x4000  }
0x41: {  	[sflag:s20] =	ssyncset.done $0x0  }
0x42: {  	s29 =	sadd.s32 $0x2800, s30;
	[sflag:s20] =	ssyncadd.s32 $0xFFFFC000  }
0x43: {  	[hbm4b:s29+s1] =	stream.linear.scatter [tilespmem:s14], [sflag:$0x6], $0x4000, $0x38;
	[tilespmem:$0x11000] =	vst v63  }
0x44: {  	_ =	swait.ge [sflag:s21], $0x4000  }
0x45: {  	[sflag:s21] =	ssyncset.done $0x0  }
0x46: {  	s29 =	sadd.s32 $0x3000, s30;
	[sflag:s21] =	ssyncadd.s32 $0xFFFFC000  }
0x47: {  	[hbm4b:s29+s1] =	stream.linear.scatter [tilespmem:s16], [sflag:$0x7], $0x4000, $0x38;
	[tilespmem:$0x11000] =	vst v63  }
0x48: {  	_ =	swait.ge [sflag:s22], $0x4000  }
0x49: {  	s31 =	sadd.s32 $0x3800, s30;
	[sflag:s22] =	ssyncset.done $0x0  }
0x4a: {  	s30 =	simm.s32 $0x400;
	s29 =	simm.s32 $0x2000;
	[sflag:s22] =	ssyncadd.s32 $0xFFFFC000  }
.LBB2_2:
0x4b: {  	[hbm4b:s31+s1] =	stream.linear.scatter [tilespmem:s18], [sflag:$0x8], $0x4000, $0x38;
	[tilespmem:$0x11000] =	vst v63  }
0x4c: {  	s31 =	smov.u32 s29  }
0x4d: {  	p0 =	sne.s32 s29, $0xC000;
	s29 =	sadd.s32 $0x2000, s29;
	_ =	swait.ge [sflag:s23], $0x4000  }
0x4e: {  	[sflag:s23] =	ssyncset.done $0x0  }
0x4f: {  	[sflag:s23] =	ssyncadd.s32 $0xFFFFC000  }
0x50: {  	[tilespmem:s13], [sflag:$0x1] =	stream.indirect.gather [hbm4b:s3+s12], $0x80, s30, s12, $0xb8;
	[tilespmem:$0x11000] =	vst v63  }
0x51: {  	_ =	swait.ge [sflag:s24], $0x4000  }
0x52: {  	[sflag:s24] =	ssyncset.done $0x0  }
0x53: {  	s0 =	sadd.s32 $0x80, s30;
	[sflag:s24] =	ssyncadd.s32 $0xFFFFC000  }
0x54: {  	[tilespmem:s14], [sflag:$0x2] =	stream.indirect.gather [hbm4b:s3+s12], $0x80, s0, s12, $0xb8;
	[tilespmem:$0x11000] =	vst v63  }
0x55: {  	_ =	swait.ge [sflag:s25], $0x4000  }
0x56: {  	[sflag:s25] =	ssyncset.done $0x0  }
0x57: {  	s0 =	sadd.s32 $0x100, s30;
	[sflag:s25] =	ssyncadd.s32 $0xFFFFC000  }
0x58: {  	[tilespmem:s16], [sflag:$0x3] =	stream.indirect.gather [hbm4b:s3+s12], $0x80, s0, s12, $0xb8;
	[tilespmem:$0x11000] =	vst v63  }
0x59: {  	_ =	swait.ge [sflag:s26], $0x4000  }
0x5a: {  	[sflag:s26] =	ssyncset.done $0x0  }
0x5b: {  	s0 =	sadd.s32 $0x180, s30;
	[sflag:s26] =	ssyncadd.s32 $0xFFFFC000  }
0x5c: {  	[tilespmem:s18], [sflag:$0x4] =	stream.indirect.gather [hbm4b:s3+s12], $0x80, s0, s12, $0xb8;
	[tilespmem:$0x11000] =	vst v63  }
0x5d: {  	_ =	swait.ge [sflag:s19], $0x4000  }
0x5e: {  	s0 =	sadd.s32 s31, s10;
	[sflag:s19] =	ssyncset.done $0x0  }
0x5f: {  	s31 =	sadd.s32 $0x2000, s0;
	[sflag:s19] =	ssyncadd.s32 $0xFFFFC000  }
0x60: {  	[hbm4b:s31+s1] =	stream.linear.scatter [tilespmem:s13], [sflag:$0x5], $0x4000, $0x38;
	[tilespmem:$0x11000] =	vst v63  }
0x61: {  	_ =	swait.ge [sflag:s20], $0x4000  }
0x62: {  	[sflag:s20] =	ssyncset.done $0x0  }
0x63: {  	s31 =	sadd.s32 $0x2800, s0;
	[sflag:s20] =	ssyncadd.s32 $0xFFFFC000  }
0x64: {  	[hbm4b:s31+s1] =	stream.linear.scatter [tilespmem:s14], [sflag:$0x6], $0x4000, $0x38;
	[tilespmem:$0x11000] =	vst v63  }
0x65: {  	_ =	swait.ge [sflag:s21], $0x4000  }
0x66: {  	[sflag:s21] =	ssyncset.done $0x0  }
.Ltmp0:
0x67: {  	s31 =	sadd.s32 $0x3000, s0;
	[sflag:s21] =	ssyncadd.s32 $0xFFFFC000;
	(pc) =	sbr.rel @p0 .LBB2_2-.Ltmp0, $4  }
0x68: {  	[hbm4b:s31+s1] =	stream.linear.scatter [tilespmem:s16], [sflag:$0x7], $0x4000, $0x38;
	[tilespmem:$0x11000] =	vst v63  }
0x69: {  	_ =	swait.ge [sflag:s22], $0x4000  }
0x6a: {  	[sflag:s22] =	ssyncset.done $0x0  }
0x6b: {  	s30 =	sadd.s32 $0x200, s30;
	s31 =	sadd.s32 $0x3800, s0;
	[sflag:s22] =	ssyncadd.s32 $0xFFFFC000  }
0x6c: {  	[hbm4b:s31+s1] =	stream.linear.scatter [tilespmem:s18], [sflag:$0x8], $0x4000, $0x38;
	[tilespmem:$0x11000] =	vst v63  }
0x6d: {  	_ =	swait.ge [sflag:s23], $0x4000  }
0x6e: {  	[sflag:s23] =	ssyncset.done $0x0  }
0x6f: {  	[sflag:s23] =	ssyncadd.s32 $0xFFFFC000  }
0x70: {  	_ =	swait.ge [sflag:s24], $0x4000  }
0x71: {  	[sflag:s24] =	ssyncset.done $0x0  }
0x72: {  	s28 =	sadd.s32 $0x1, s28;
	[sflag:s24] =	ssyncadd.s32 $0xFFFFC000  }
0x73: {  	p0 =	sne.s32 s28, s6;
	_ =	swait.ge [sflag:s25], $0x4000  }
.Ltmp1:
0x74: {  	[sflag:s25] =	ssyncset.done $0x0;
	(pc) =	sbr.rel @p0 .LBB2_1-.Ltmp1, $4  }
0x75: {  	[sflag:s25] =	ssyncadd.s32 $0xFFFFC000  }
0x76: {  	_ =	swait.ge [sflag:s26], $0x4000  }
0x77: {  	[sflag:s26] =	ssyncset.done $0x0  }
0x78: {  	[sflag:s26] =	ssyncadd.s32 $0xFFFFC000  }
0x79: {  	_ =	sfence.sel $0x180000  }
0x7a: {  	[bflag:$0x0] =	sbarrier.arrive $0xFFFF  }
0x7b: {  	_ =	strace $0x90000047  }
0x7c: {  	[bflag:$0x2] =	sbarrier.arrive $0xFFFF  }
0x7d: {  	p0 =	sne.s32 s2, $0x0;
	s0 =	rddreg [dreg:$0x2]  }
0x7e: {  	s0 =	sadd.s32 @!p0 $0x100000, s0  }
0x7f: {  	[sflag:s0] =	ssyncadd.tile.s32 @!p0 $0x1;
	_ =	shalt  }
.Lfunc_end2:
_tile_overlayer_lowered:
.L_overlay_start_2:
0x80: {  	(tag) =	ssettag $0x2  }
0x81: {  	s0 =	rddreg [dreg:$0x0];
	s2 =	stileid.u32  }
0x82: {  	s1 =	rddreg [dreg:$0x1];
	p0 =	sne.s32 s2, $0x0  }
0x83: {  	s3 =	rddreg [dreg:$0x2];
	[bflag:$0x3] =	sbarrier.arrive $0xFFFF;
	s2 =	simm.s32 @!p0 $0x1C09  }
0x84: {  	[timem:s3], [sflag:s2] =	dma.local @!p0 [hbm:s0], s1  }
0x85: {  	s0 =	simm.s32 @!p0 $0x9  }
0x86: {  	_ =	swait.ge @!p0 [sflag:s0], s1  }
0x87: {  	s1 =	ssub.s32 @!p0 $0x0, s1;
	[sflag:s0] =	ssyncset.done @!p0 $0x0  }
0x88: {  	[sflag:s0] =	ssyncadd.s32 @!p0 s1  }
0x89: {  	[bflag:$0x3] =	sbarrier.arrive $0xFFFF  }
0x8a: {  	_ =	shalt  }

</sc_bundles>
